<compile_context>
chip_gen: v7x
topology: tpu7x:2x2x1
jax: 0.10.2.dev20260603
libtpu: 0.0.44.dev20260713+nightly
codegen_flags: <defaults>
</compile_context>

<pallas_src>
import functools

import jax
import jax.numpy as jnp
from jax import lax
from jax.experimental import pallas as pl
from jax.experimental.pallas import tpu as pltpu
from jax.experimental.pallas import tpu_sc as plsc

_B = 16384
_D = 128

_SLICES = (12288, 4096)

_NC = 2
_NS = 16
_NW = _NC * _NS


@functools.cache
def _make_gather(bh, row_off):
    mesh = plsc.VectorSubcoreMesh(core_axis_name="c", subcore_axis_name="s")
    rpw = bh // _NW
    ch = rpw
    while ch > 256:
        ch //= 2
    n_chunks = rpw // ch

    @functools.partial(
        pl.kernel,
        mesh=mesh,
        out_type=[
            jax.ShapeDtypeStruct((bh, _D), jnp.float32),
            jax.ShapeDtypeStruct((bh, _D), jnp.float32),
        ],
        scratch_types=[
            pltpu.VMEM((rpw,), jnp.int32),
            pltpu.VMEM((rpw,), jnp.int32),
            pltpu.VMEM((ch, _D), jnp.float32),
            pltpu.VMEM((ch, _D), jnp.float32),
            pltpu.VMEM((ch, _D), jnp.float32),
            pltpu.SemaphoreType.DMA,
            pltpu.SemaphoreType.DMA,
            pltpu.SemaphoreType.DMA,
            pltpu.SemaphoreType.DMA,
        ],
    )
    def _gather2(uidx_hbm, iidx_hbm, table_hbm, out_x, out_y,
                 uix_v, iix_v, bufa, bufb, bufc, gsa, gsb, gsc, st_sem):
        wid = lax.axis_index("s") * _NC + lax.axis_index("c")
        base = wid * rpw
        pltpu.sync_copy(uidx_hbm.at[pl.ds(row_off + base, rpw)], uix_v)
        pltpu.sync_copy(iidx_hbm.at[pl.ds(row_off + base, rpw)], iix_v)
        sched = []
        for c in range(n_chunks):
            sched.append((uix_v, c * ch, out_x))
        for c in range(n_chunks):
            sched.append((iix_v, c * ch, out_y))
        bufs = [(bufa, gsa), (bufb, gsb), (bufc, gsc)]
        nb = len(bufs)
        gathers = []
        stores = []
        for k, (idx_v, off, _out) in enumerate(sched):
            buf, sem = bufs[k % nb]
            gathers.append(
                pltpu.async_copy(table_hbm.at[idx_v.at[pl.ds(off, ch)]], buf, sem)
            )
            if k >= nb - 1:
                pidx = k - (nb - 1)
                gathers[pidx].wait()
                pbuf, _ = bufs[pidx % nb]
                _, poff, pout = sched[pidx]
                stores.append(
                    pltpu.async_copy(pbuf, pout.at[pl.ds(base + poff, ch)], st_sem)
                )
        for pidx in range(max(0, len(sched) - (nb - 1)), len(sched)):
            gathers[pidx].wait()
            pbuf, _ = bufs[pidx % nb]
            _, poff, pout = sched[pidx]
            stores.append(
                pltpu.async_copy(pbuf, pout.at[pl.ds(base + poff, ch)], st_sem)
            )
        for st in stores:
            st.wait()

    return _gather2


_BS = 4096


def _mlp_block(x, y, w1_ref, b1, w2, b2, w3, b3, w4, b4):
    h = jnp.dot(x, w1_ref[0], preferred_element_type=jnp.float32)
    h = h + jnp.dot(y, w1_ref[1], preferred_element_type=jnp.float32)
    h = jnp.maximum(h + b1[...], 0.0)
    h = jnp.maximum(jnp.dot(h, w2[...], preferred_element_type=jnp.float32) + b2[...], 0.0)
    h = jnp.maximum(jnp.dot(h, w3[...], preferred_element_type=jnp.float32) + b3[...], 0.0)
    z = jax.lax.dot_general(
        w4[...], h, (((1,), (1,)), ((), ())),
        preferred_element_type=jnp.float32)[0] + b4[0]
    return 1.0 / (1.0 + jnp.exp(-z))


def _mlp_body(x_ref, y_ref, w1_ref, b1, w2, b2, w3, b3, w4, b4, o_ref):
    o_ref[...] = _mlp_block(x_ref[...], y_ref[...],
                            w1_ref, b1, w2, b2, w3, b3, w4, b4)


def _mlp_body_acc(prev_ref, x_ref, y_ref, w1_ref, b1, w2, b2, w3, b3, w4, b4,
                  o_ref):
    del prev_ref
    o_ref[...] = _mlp_block(x_ref[...], y_ref[...],
                            w1_ref, b1, w2, b2, w3, b3, w4, b4)


def _full(shape):
    return pl.BlockSpec(shape, lambda i: tuple(0 for _ in shape))


_W_SPECS = [
    _full((2, _D, 128)),
    _full((128,)),
    _full((128, 64)),
    _full((64,)),
    _full((64, 32)),
    _full((32,)),
    _full((1, 32)),
    _full((1,)),
]


def _mlp(blk_off, nblk, xg, yg, weights, prev=None):
    xy = pl.BlockSpec((_BS, _D), lambda i: (i, 0))
    out = pl.BlockSpec((_BS,), lambda i, o=blk_off: (o + i,))
    if prev is None:
        return pl.pallas_call(
            _mlp_body,
            grid=(nblk,),
            in_specs=[xy, xy] + _W_SPECS,
            out_specs=out,
            out_shape=jax.ShapeDtypeStruct((_B,), jnp.float32),
            compiler_params=pltpu.CompilerParams(
                dimension_semantics=("arbitrary",)),
        )(xg, yg, *weights)
    return pl.pallas_call(
        _mlp_body_acc,
        grid=(nblk,),
        in_specs=[pl.BlockSpec(memory_space=pl.ANY), xy, xy] + _W_SPECS,
        out_specs=out,
        out_shape=jax.ShapeDtypeStruct((_B,), jnp.float32),
        input_output_aliases={0: 0},
        compiler_params=pltpu.CompilerParams(
            dimension_semantics=("arbitrary",)),
    )(prev, xg, yg, *weights)


def kernel(user_input, item_input, user_emb, W1, b1, W2, b2, W3, b3, W4, b4):
    uidx = user_input.astype(jnp.int32)
    iidx = item_input.astype(jnp.int32)
    weights = (W1.reshape(2, _D, 128), b1, W2, b2, W3, b3, W4.reshape(1, 32), b4)
    out = None
    off = 0
    for bh in _SLICES:
        xg, yg = _make_gather(bh, off)(uidx, iidx, user_emb)
        out = _mlp(off // _BS, bh // _BS, xg, yg, weights, prev=out)
        off += bh
    return out

# --- scband reference (transcript-rebuilt; emitter-appended) ---
"""Pipeline reference for scband-neural-collaborative-filter-17557826306234 (READ-ONLY COPY).

The authoritative reference and input builder live on the scoring server;
editing this copy changes nothing except your own understanding.
"""

import jax, jax.numpy as jnp
import numpy as np

B = 16384
V = 1000000
D = 128

def setup_inputs(seed: int = 0) -> dict:
    key = jax.random.key(seed)
    ks = jax.random.split(key, 12)
    user_input = jax.random.randint(ks[0], (B,), 0, V)
    item_input = jax.random.randint(ks[1], (B,), 0, V)
    user_emb = jax.random.normal(ks[2], (V, D), dtype=jnp.float32) * 0.05
    W1 = jax.random.normal(ks[3], (2 * D, 128), dtype=jnp.float32) * 0.05
    b1 = jnp.zeros((128,), dtype=jnp.float32)
    W2 = jax.random.normal(ks[4], (128, 64), dtype=jnp.float32) * 0.05
    b2 = jnp.zeros((64,), dtype=jnp.float32)
    W3 = jax.random.normal(ks[5], (64, 32), dtype=jnp.float32) * 0.05
    b3 = jnp.zeros((32,), dtype=jnp.float32)
    W4 = jax.random.normal(ks[6], (32, 1), dtype=jnp.float32) * 0.05
    b4 = jnp.zeros((1,), dtype=jnp.float32)
    return {"user_input": user_input, "item_input": item_input, "user_emb": user_emb,
            "W1": W1, "b1": b1, "W2": W2, "b2": b2, "W3": W3, "b3": b3, "W4": W4, "b4": b4}

def reference(user_input, item_input, user_emb, W1, b1, W2, b2, W3, b3, W4, b4):
    # Faithful to the original module: BOTH lookups use user_embedding (per the source code).
    x = jnp.take(user_emb, user_input, axis=0)
    y = jnp.take(user_emb, item_input, axis=0)
    v = jnp.concatenate([x, y], axis=1)
    h = jax.nn.relu(v @ W1 + b1)
    h = jax.nn.relu(h @ W2 + b2)
    h = jax.nn.relu(h @ W3 + b3)
    out = jax.nn.sigmoid(h @ W4 + b4)
    return jnp.squeeze(out)

if __name__ == "__main__":
    import jax
    _d = setup_inputs()
    print(jax.jit(kernel)(*tuple(_d.values())))

</pallas_src>

<mosaic_0001>
#map = affine_map<(d0, d1) -> (0)>
#map1 = affine_map<(d0, d1) -> (0, 0)>
module attributes {stable_mosaic.version = 14 : i64} {
  func.func @_gather2(%arg0: i32, %arg1: i32, %arg2: memref<16384xi32, #tpu.memory_space<hbm>>, %arg3: memref<16384xi32, #tpu.memory_space<hbm>>, %arg4: memref<1000000x128xf32, #tpu.memory_space<hbm>>, %arg5: memref<12288x128xf32, #tpu.memory_space<hbm>>, %arg6: memref<12288x128xf32, #tpu.memory_space<hbm>>, %arg7: memref<384xi32, #tpu.memory_space<vmem>>, %arg8: memref<384xi32, #tpu.memory_space<vmem>>, %arg9: memref<192x128xf32, #tpu.memory_space<vmem>>, %arg10: memref<192x128xf32, #tpu.memory_space<vmem>>, %arg11: memref<192x128xf32, #tpu.memory_space<vmem>>, %arg12: memref<!tpu.dma_semaphore, #tpu.memory_space<semaphore_mem>>, %arg13: memref<!tpu.dma_semaphore, #tpu.memory_space<semaphore_mem>>, %arg14: memref<!tpu.dma_semaphore, #tpu.memory_space<semaphore_mem>>, %arg15: memref<!tpu.dma_semaphore, #tpu.memory_space<semaphore_mem>>) attributes {dimension_semantics = [#tpu.dimension_semantics<core_parallel>, #tpu.dimension_semantics<subcore_parallel>], iteration_bounds = array<i64: 2, 16>, scalar_prefetch = 0 : i64, scratch_operands = 9 : i64, tpu.core_type = #tpu.core_type<sc_vector_subcore>, window_params = [{transform_indices = #map}, {transform_indices = #map}, {transform_indices = #map1}, {transform_indices = #map1}, {transform_indices = #map1}]} {
    %mul3A = arith.constant 2 : i32
    %mul3A_0 = arith.muli %arg1, %mul3A : i32
    %add3A = arith.addi %mul3A_0, %arg0 : i32
    %mul3A_1 = arith.constant 384 : i32
    %mul3A_2 = arith.muli %add3A, %mul3A_1 : i32
    %add3A_3 = arith.constant 0 : i32
    %add3A_4 = arith.addi %add3A_3, %mul3A_2 : i32
    "tpu.region"() ({
      %run_scoped3A = tpu.sem_alloc : memref<!tpu.dma_semaphore, #tpu.memory_space<semaphore_mem>>
      %dma_start3A_85 = tpu.memref_slice %arg2[%add3A_4] : memref<16384xi32, #tpu.memory_space<hbm>> -> memref<384xi32, #tpu.memory_space<hbm>>
      %dma_start3A_86 = tpu.memref_slice %arg2[%add3A_4] : memref<16384xi32, #tpu.memory_space<hbm>> -> memref<384xi32, #tpu.memory_space<hbm>>
      tpu.enqueue_dma source(%dma_start3A_86 : memref<384xi32, #tpu.memory_space<hbm>>) target(%arg7 : memref<384xi32, #tpu.memory_space<vmem>>) target_semaphore(%run_scoped3A : memref<!tpu.dma_semaphore, #tpu.memory_space<semaphore_mem>>)
      %dma_wait3A_87 = tpu.memref_slice %arg2[%add3A_4] : memref<16384xi32, #tpu.memory_space<hbm>> -> memref<384xi32, #tpu.memory_space<hbm>>
      %dma_wait3A_88 = tpu.memref_slice %arg2[%add3A_4] : memref<16384xi32, #tpu.memory_space<hbm>> -> memref<384xi32, #tpu.memory_space<hbm>>
      tpu.wait_dma2 semaphore(%run_scoped3A : memref<!tpu.dma_semaphore, #tpu.memory_space<semaphore_mem>>) src(%dma_wait3A_88 : memref<384xi32, #tpu.memory_space<hbm>>) dst(%arg7 : memref<384xi32, #tpu.memory_space<vmem>>)
      tpu.yield
    }) : () -> ()
    %add3A_5 = arith.constant 0 : i32
    %add3A_6 = arith.addi %add3A_5, %mul3A_2 : i32
    "tpu.region"() ({
      %run_scoped3A = tpu.sem_alloc : memref<!tpu.dma_semaphore, #tpu.memory_space<semaphore_mem>>
      %dma_start3A_85 = tpu.memref_slice %arg3[%add3A_6] : memref<16384xi32, #tpu.memory_space<hbm>> -> memref<384xi32, #tpu.memory_space<hbm>>
      %dma_start3A_86 = tpu.memref_slice %arg3[%add3A_6] : memref<16384xi32, #tpu.memory_space<hbm>> -> memref<384xi32, #tpu.memory_space<hbm>>
      tpu.enqueue_dma source(%dma_start3A_86 : memref<384xi32, #tpu.memory_space<hbm>>) target(%arg8 : memref<384xi32, #tpu.memory_space<vmem>>) target_semaphore(%run_scoped3A : memref<!tpu.dma_semaphore, #tpu.memory_space<semaphore_mem>>)
      %dma_wait3A_87 = tpu.memref_slice %arg3[%add3A_6] : memref<16384xi32, #tpu.memory_space<hbm>> -> memref<384xi32, #tpu.memory_space<hbm>>
      %dma_wait3A_88 = tpu.memref_slice %arg3[%add3A_6] : memref<16384xi32, #tpu.memory_space<hbm>> -> memref<384xi32, #tpu.memory_space<hbm>>
      tpu.wait_dma2 semaphore(%run_scoped3A : memref<!tpu.dma_semaphore, #tpu.memory_space<semaphore_mem>>) src(%dma_wait3A_88 : memref<384xi32, #tpu.memory_space<hbm>>) dst(%arg8 : memref<384xi32, #tpu.memory_space<vmem>>)
      tpu.yield
    }) : () -> ()
    %dma_start3A = arith.constant 0 : i32
    %dma_start3A_7 = tpu.memref_slice %arg7[%dma_start3A] : memref<384xi32, #tpu.memory_space<vmem>> -> memref<192xi32, #tpu.memory_space<vmem>>
    %dma_start3A_8 = arith.constant 0 : i32
    %dma_start3A_9 = arith.constant 0 : i32
    %dma_start3A_10 = tpu.memref_slice %arg4[%dma_start3A_8, %dma_start3A_9] : memref<1000000x128xf32, #tpu.memory_space<hbm>> -> memref<1000000x128xf32, #tpu.memory_space<hbm>>
    tpu.enqueue_indirect_dma source(%dma_start3A_10 : memref<1000000x128xf32, #tpu.memory_space<hbm>>) target(%arg9 : memref<192x128xf32, #tpu.memory_space<vmem>>) offsets(%dma_start3A_7 : memref<192xi32, #tpu.memory_space<vmem>>) semaphore(%arg12 : memref<!tpu.dma_semaphore, #tpu.memory_space<semaphore_mem>>)
    %dma_start3A_11 = arith.constant 192 : i32
    %dma_start3A_12 = tpu.memref_slice %arg7[%dma_start3A_11] : memref<384xi32, #tpu.memory_space<vmem>> -> memref<192xi32, #tpu.memory_space<vmem>>
    %dma_start3A_13 = arith.constant 0 : i32
    %dma_start3A_14 = arith.constant 0 : i32
    %dma_start3A_15 = tpu.memref_slice %arg4[%dma_start3A_13, %dma_start3A_14] : memref<1000000x128xf32, #tpu.memory_space<hbm>> -> memref<1000000x128xf32, #tpu.memory_space<hbm>>
    tpu.enqueue_indirect_dma source(%dma_start3A_15 : memref<1000000x128xf32, #tpu.memory_space<hbm>>) target(%arg10 : memref<192x128xf32, #tpu.memory_space<vmem>>) offsets(%dma_start3A_12 : memref<192xi32, #tpu.memory_space<vmem>>) semaphore(%arg13 : memref<!tpu.dma_semaphore, #tpu.memory_space<semaphore_mem>>)
    %dma_start3A_16 = arith.constant 0 : i32
    %dma_start3A_17 = tpu.memref_slice %arg8[%dma_start3A_16] : memref<384xi32, #tpu.memory_space<vmem>> -> memref<192xi32, #tpu.memory_space<vmem>>
    %dma_start3A_18 = arith.constant 0 : i32
    %dma_start3A_19 = arith.constant 0 : i32
    %dma_start3A_20 = tpu.memref_slice %arg4[%dma_start3A_18, %dma_start3A_19] : memref<1000000x128xf32, #tpu.memory_space<hbm>> -> memref<1000000x128xf32, #tpu.memory_space<hbm>>
    tpu.enqueue_indirect_dma source(%dma_start3A_20 : memref<1000000x128xf32, #tpu.memory_space<hbm>>) target(%arg11 : memref<192x128xf32, #tpu.memory_space<vmem>>) offsets(%dma_start3A_17 : memref<192xi32, #tpu.memory_space<vmem>>) semaphore(%arg14 : memref<!tpu.dma_semaphore, #tpu.memory_space<semaphore_mem>>)
    %dma_wait3A = arith.constant 0 : i32
    %dma_wait3A_21 = tpu.memref_slice %arg7[%dma_wait3A] : memref<384xi32, #tpu.memory_space<vmem>> -> memref<192xi32, #tpu.memory_space<vmem>>
    %dma_wait3A_22 = arith.constant 0 : i32
    %dma_wait3A_23 = arith.constant 0 : i32
    %dma_wait3A_24 = tpu.memref_slice %arg4[%dma_wait3A_22, %dma_wait3A_23] : memref<1000000x128xf32, #tpu.memory_space<hbm>> -> memref<1000000x128xf32, #tpu.memory_space<hbm>>
    tpu.wait_indirect_dma semaphore(%arg12 : memref<!tpu.dma_semaphore, #tpu.memory_space<semaphore_mem>>) src(%dma_wait3A_24 : memref<1000000x128xf32, #tpu.memory_space<hbm>>) dst(%arg9 : memref<192x128xf32, #tpu.memory_space<vmem>>)
    %add3A_25 = arith.constant 0 : i32
    %add3A_26 = arith.addi %mul3A_2, %add3A_25 : i32
    %dma_start3A_27 = arith.constant 0 : i32
    %dma_start3A_28 = tpu.memref_slice %arg5[%add3A_26, %dma_start3A_27] : memref<12288x128xf32, #tpu.memory_space<hbm>> -> memref<192x128xf32, #tpu.memory_space<hbm>>
    %dma_start3A_29 = arith.constant 0 : i32
    %dma_start3A_30 = tpu.memref_slice %arg5[%add3A_26, %dma_start3A_29] : memref<12288x128xf32, #tpu.memory_space<hbm>> -> memref<192x128xf32, #tpu.memory_space<hbm>>
    tpu.enqueue_dma source(%arg9 : memref<192x128xf32, #tpu.memory_space<vmem>>) target(%dma_start3A_30 : memref<192x128xf32, #tpu.memory_space<hbm>>) target_semaphore(%arg15 : memref<!tpu.dma_semaphore, #tpu.memory_space<semaphore_mem>>)
    %dma_start3A_31 = arith.constant 192 : i32
    %dma_start3A_32 = tpu.memref_slice %arg8[%dma_start3A_31] : memref<384xi32, #tpu.memory_space<vmem>> -> memref<192xi32, #tpu.memory_space<vmem>>
    %dma_start3A_33 = arith.constant 0 : i32
    %dma_start3A_34 = arith.constant 0 : i32
    %dma_start3A_35 = tpu.memref_slice %arg4[%dma_start3A_33, %dma_start3A_34] : memref<1000000x128xf32, #tpu.memory_space<hbm>> -> memref<1000000x128xf32, #tpu.memory_space<hbm>>
    tpu.enqueue_indirect_dma source(%dma_start3A_35 : memref<1000000x128xf32, #tpu.memory_space<hbm>>) target(%arg9 : memref<192x128xf32, #tpu.memory_space<vmem>>) offsets(%dma_start3A_32 : memref<192xi32, #tpu.memory_space<vmem>>) semaphore(%arg12 : memref<!tpu.dma_semaphore, #tpu.memory_space<semaphore_mem>>)
    %dma_wait3A_36 = arith.constant 192 : i32
    %dma_wait3A_37 = tpu.memref_slice %arg7[%dma_wait3A_36] : memref<384xi32, #tpu.memory_space<vmem>> -> memref<192xi32, #tpu.memory_space<vmem>>
    %dma_wait3A_38 = arith.constant 0 : i32
    %dma_wait3A_39 = arith.constant 0 : i32
    %dma_wait3A_40 = tpu.memref_slice %arg4[%dma_wait3A_38, %dma_wait3A_39] : memref<1000000x128xf32, #tpu.memory_space<hbm>> -> memref<1000000x128xf32, #tpu.memory_space<hbm>>
    tpu.wait_indirect_dma semaphore(%arg13 : memref<!tpu.dma_semaphore, #tpu.memory_space<semaphore_mem>>) src(%dma_wait3A_40 : memref<1000000x128xf32, #tpu.memory_space<hbm>>) dst(%arg10 : memref<192x128xf32, #tpu.memory_space<vmem>>)
    %add3A_41 = arith.constant 192 : i32
    %add3A_42 = arith.addi %mul3A_2, %add3A_41 : i32
    %dma_start3A_43 = arith.constant 0 : i32
    %dma_start3A_44 = tpu.memref_slice %arg5[%add3A_42, %dma_start3A_43] : memref<12288x128xf32, #tpu.memory_space<hbm>> -> memref<192x128xf32, #tpu.memory_space<hbm>>
    %dma_start3A_45 = arith.constant 0 : i32
    %dma_start3A_46 = tpu.memref_slice %arg5[%add3A_42, %dma_start3A_45] : memref<12288x128xf32, #tpu.memory_space<hbm>> -> memref<192x128xf32, #tpu.memory_space<hbm>>
    tpu.enqueue_dma source(%arg10 : memref<192x128xf32, #tpu.memory_space<vmem>>) target(%dma_start3A_46 : memref<192x128xf32, #tpu.memory_space<hbm>>) target_semaphore(%arg15 : memref<!tpu.dma_semaphore, #tpu.memory_space<semaphore_mem>>)
    %dma_wait3A_47 = arith.constant 0 : i32
    %dma_wait3A_48 = tpu.memref_slice %arg8[%dma_wait3A_47] : memref<384xi32, #tpu.memory_space<vmem>> -> memref<192xi32, #tpu.memory_space<vmem>>
    %dma_wait3A_49 = arith.constant 0 : i32
    %dma_wait3A_50 = arith.constant 0 : i32
    %dma_wait3A_51 = tpu.memref_slice %arg4[%dma_wait3A_49, %dma_wait3A_50] : memref<1000000x128xf32, #tpu.memory_space<hbm>> -> memref<1000000x128xf32, #tpu.memory_space<hbm>>
    tpu.wait_indirect_dma semaphore(%arg14 : memref<!tpu.dma_semaphore, #tpu.memory_space<semaphore_mem>>) src(%dma_wait3A_51 : memref<1000000x128xf32, #tpu.memory_space<hbm>>) dst(%arg11 : memref<192x128xf32, #tpu.memory_space<vmem>>)
    %add3A_52 = arith.constant 0 : i32
    %add3A_53 = arith.addi %mul3A_2, %add3A_52 : i32
    %dma_start3A_54 = arith.constant 0 : i32
    %dma_start3A_55 = tpu.memref_slice %arg6[%add3A_53, %dma_start3A_54] : memref<12288x128xf32, #tpu.memory_space<hbm>> -> memref<192x128xf32, #tpu.memory_space<hbm>>
    %dma_start3A_56 = arith.constant 0 : i32
    %dma_start3A_57 = tpu.memref_slice %arg6[%add3A_53, %dma_start3A_56] : memref<12288x128xf32, #tpu.memory_space<hbm>> -> memref<192x128xf32, #tpu.memory_space<hbm>>
    tpu.enqueue_dma source(%arg11 : memref<192x128xf32, #tpu.memory_space<vmem>>) target(%dma_start3A_57 : memref<192x128xf32, #tpu.memory_space<hbm>>) target_semaphore(%arg15 : memref<!tpu.dma_semaphore, #tpu.memory_space<semaphore_mem>>)
    %dma_wait3A_58 = arith.constant 192 : i32
    %dma_wait3A_59 = tpu.memref_slice %arg8[%dma_wait3A_58] : memref<384xi32, #tpu.memory_space<vmem>> -> memref<192xi32, #tpu.memory_space<vmem>>
    %dma_wait3A_60 = arith.constant 0 : i32
    %dma_wait3A_61 = arith.constant 0 : i32
    %dma_wait3A_62 = tpu.memref_slice %arg4[%dma_wait3A_60, %dma_wait3A_61] : memref<1000000x128xf32, #tpu.memory_space<hbm>> -> memref<1000000x128xf32, #tpu.memory_space<hbm>>
    tpu.wait_indirect_dma semaphore(%arg12 : memref<!tpu.dma_semaphore, #tpu.memory_space<semaphore_mem>>) src(%dma_wait3A_62 : memref<1000000x128xf32, #tpu.memory_space<hbm>>) dst(%arg9 : memref<192x128xf32, #tpu.memory_space<vmem>>)
    %add3A_63 = arith.constant 192 : i32
    %add3A_64 = arith.addi %mul3A_2, %add3A_63 : i32
    %dma_start3A_65 = arith.constant 0 : i32
    %dma_start3A_66 = tpu.memref_slice %arg6[%add3A_64, %dma_start3A_65] : memref<12288x128xf32, #tpu.memory_space<hbm>> -> memref<192x128xf32, #tpu.memory_space<hbm>>
    %dma_start3A_67 = arith.constant 0 : i32
    %dma_start3A_68 = tpu.memref_slice %arg6[%add3A_64, %dma_start3A_67] : memref<12288x128xf32, #tpu.memory_space<hbm>> -> memref<192x128xf32, #tpu.memory_space<hbm>>
    tpu.enqueue_dma source(%arg9 : memref<192x128xf32, #tpu.memory_space<vmem>>) target(%dma_start3A_68 : memref<192x128xf32, #tpu.memory_space<hbm>>) target_semaphore(%arg15 : memref<!tpu.dma_semaphore, #tpu.memory_space<semaphore_mem>>)
    %dma_wait3A_69 = arith.constant 0 : i32
    %dma_wait3A_70 = tpu.memref_slice %arg5[%add3A_26, %dma_wait3A_69] : memref<12288x128xf32, #tpu.memory_space<hbm>> -> memref<192x128xf32, #tpu.memory_space<hbm>>
    %dma_wait3A_71 = arith.constant 0 : i32
    %dma_wait3A_72 = tpu.memref_slice %arg5[%add3A_26, %dma_wait3A_71] : memref<12288x128xf32, #tpu.memory_space<hbm>> -> memref<192x128xf32, #tpu.memory_space<hbm>>
    tpu.wait_dma2 semaphore(%arg15 : memref<!tpu.dma_semaphore, #tpu.memory_space<semaphore_mem>>) src(%arg9 : memref<192x128xf32, #tpu.memory_space<vmem>>) dst(%dma_wait3A_72 : memref<192x128xf32, #tpu.memory_space<hbm>>)
    %dma_wait3A_73 = arith.constant 0 : i32
    %dma_wait3A_74 = tpu.memref_slice %arg5[%add3A_42, %dma_wait3A_73] : memref<12288x128xf32, #tpu.memory_space<hbm>> -> memref<192x128xf32, #tpu.memory_space<hbm>>
    %dma_wait3A_75 = arith.constant 0 : i32
    %dma_wait3A_76 = tpu.memref_slice %arg5[%add3A_42, %dma_wait3A_75] : memref<12288x128xf32, #tpu.memory_space<hbm>> -> memref<192x128xf32, #tpu.memory_space<hbm>>
    tpu.wait_dma2 semaphore(%arg15 : memref<!tpu.dma_semaphore, #tpu.memory_space<semaphore_mem>>) src(%arg10 : memref<192x128xf32, #tpu.memory_space<vmem>>) dst(%dma_wait3A_76 : memref<192x128xf32, #tpu.memory_space<hbm>>)
    %dma_wait3A_77 = arith.constant 0 : i32
    %dma_wait3A_78 = tpu.memref_slice %arg6[%add3A_53, %dma_wait3A_77] : memref<12288x128xf32, #tpu.memory_space<hbm>> -> memref<192x128xf32, #tpu.memory_space<hbm>>
    %dma_wait3A_79 = arith.constant 0 : i32
    %dma_wait3A_80 = tpu.memref_slice %arg6[%add3A_53, %dma_wait3A_79] : memref<12288x128xf32, #tpu.memory_space<hbm>> -> memref<192x128xf32, #tpu.memory_space<hbm>>
    tpu.wait_dma2 semaphore(%arg15 : memref<!tpu.dma_semaphore, #tpu.memory_space<semaphore_mem>>) src(%arg11 : memref<192x128xf32, #tpu.memory_space<vmem>>) dst(%dma_wait3A_80 : memref<192x128xf32, #tpu.memory_space<hbm>>)
    %dma_wait3A_81 = arith.constant 0 : i32
    %dma_wait3A_82 = tpu.memref_slice %arg6[%add3A_64, %dma_wait3A_81] : memref<12288x128xf32, #tpu.memory_space<hbm>> -> memref<192x128xf32, #tpu.memory_space<hbm>>
    %dma_wait3A_83 = arith.constant 0 : i32
    %dma_wait3A_84 = tpu.memref_slice %arg6[%add3A_64, %dma_wait3A_83] : memref<12288x128xf32, #tpu.memory_space<hbm>> -> memref<192x128xf32, #tpu.memory_space<hbm>>
    tpu.wait_dma2 semaphore(%arg15 : memref<!tpu.dma_semaphore, #tpu.memory_space<semaphore_mem>>) src(%arg9 : memref<192x128xf32, #tpu.memory_space<vmem>>) dst(%dma_wait3A_84 : memref<192x128xf32, #tpu.memory_space<hbm>>)
    return
  }
}

#map = affine_map<(d0, d1) -> (0)>
#map1 = affine_map<(d0, d1) -> (0, 0)>
module attributes {stable_mosaic.version = 14 : i64} {
  func.func @_gather2(%arg0: i32, %arg1: i32, %arg2: memref<16384xi32, #tpu.memory_space<hbm>>, %arg3: memref<16384xi32, #tpu.memory_space<hbm>>, %arg4: memref<1000000x128xf32, #tpu.memory_space<hbm>>, %arg5: memref<4096x128xf32, #tpu.memory_space<hbm>>, %arg6: memref<4096x128xf32, #tpu.memory_space<hbm>>, %arg7: memref<128xi32, #tpu.memory_space<vmem>>, %arg8: memref<128xi32, #tpu.memory_space<vmem>>, %arg9: memref<128x128xf32, #tpu.memory_space<vmem>>, %arg10: memref<128x128xf32, #tpu.memory_space<vmem>>, %arg11: memref<128x128xf32, #tpu.memory_space<vmem>>, %arg12: memref<!tpu.dma_semaphore, #tpu.memory_space<semaphore_mem>>, %arg13: memref<!tpu.dma_semaphore, #tpu.memory_space<semaphore_mem>>, %arg14: memref<!tpu.dma_semaphore, #tpu.memory_space<semaphore_mem>>, %arg15: memref<!tpu.dma_semaphore, #tpu.memory_space<semaphore_mem>>) attributes {dimension_semantics = [#tpu.dimension_semantics<core_parallel>, #tpu.dimension_semantics<subcore_parallel>], iteration_bounds = array<i64: 2, 16>, scalar_prefetch = 0 : i64, scratch_operands = 9 : i64, tpu.core_type = #tpu.core_type<sc_vector_subcore>, window_params = [{transform_indices = #map}, {transform_indices = #map}, {transform_indices = #map1}, {transform_indices = #map1}, {transform_indices = #map1}]} {
    %mul3A = arith.constant 2 : i32
    %mul3A_0 = arith.muli %arg1, %mul3A : i32
    %add3A = arith.addi %mul3A_0, %arg0 : i32
    %mul3A_1 = arith.constant 128 : i32
    %mul3A_2 = arith.muli %add3A, %mul3A_1 : i32
    %add3A_3 = arith.constant 12288 : i32
    %add3A_4 = arith.addi %add3A_3, %mul3A_2 : i32
    "tpu.region"() ({
      %run_scoped3A = tpu.sem_alloc : memref<!tpu.dma_semaphore, #tpu.memory_space<semaphore_mem>>
      %dma_start3A_45 = tpu.memref_slice %arg2[%add3A_4] : memref<16384xi32, #tpu.memory_space<hbm>> -> memref<128xi32, #tpu.memory_space<hbm>>
      %dma_start3A_46 = tpu.memref_slice %arg2[%add3A_4] : memref<16384xi32, #tpu.memory_space<hbm>> -> memref<128xi32, #tpu.memory_space<hbm>>
      tpu.enqueue_dma source(%dma_start3A_46 : memref<128xi32, #tpu.memory_space<hbm>>) target(%arg7 : memref<128xi32, #tpu.memory_space<vmem>>) target_semaphore(%run_scoped3A : memref<!tpu.dma_semaphore, #tpu.memory_space<semaphore_mem>>)
      %dma_wait3A_47 = tpu.memref_slice %arg2[%add3A_4] : memref<16384xi32, #tpu.memory_space<hbm>> -> memref<128xi32, #tpu.memory_space<hbm>>
      %dma_wait3A_48 = tpu.memref_slice %arg2[%add3A_4] : memref<16384xi32, #tpu.memory_space<hbm>> -> memref<128xi32, #tpu.memory_space<hbm>>
      tpu.wait_dma2 semaphore(%run_scoped3A : memref<!tpu.dma_semaphore, #tpu.memory_space<semaphore_mem>>) src(%dma_wait3A_48 : memref<128xi32, #tpu.memory_space<hbm>>) dst(%arg7 : memref<128xi32, #tpu.memory_space<vmem>>)
      tpu.yield
    }) : () -> ()
    %add3A_5 = arith.constant 12288 : i32
    %add3A_6 = arith.addi %add3A_5, %mul3A_2 : i32
    "tpu.region"() ({
      %run_scoped3A = tpu.sem_alloc : memref<!tpu.dma_semaphore, #tpu.memory_space<semaphore_mem>>
      %dma_start3A_45 = tpu.memref_slice %arg3[%add3A_6] : memref<16384xi32, #tpu.memory_space<hbm>> -> memref<128xi32, #tpu.memory_space<hbm>>
      %dma_start3A_46 = tpu.memref_slice %arg3[%add3A_6] : memref<16384xi32, #tpu.memory_space<hbm>> -> memref<128xi32, #tpu.memory_space<hbm>>
      tpu.enqueue_dma source(%dma_start3A_46 : memref<128xi32, #tpu.memory_space<hbm>>) target(%arg8 : memref<128xi32, #tpu.memory_space<vmem>>) target_semaphore(%run_scoped3A : memref<!tpu.dma_semaphore, #tpu.memory_space<semaphore_mem>>)
      %dma_wait3A_47 = tpu.memref_slice %arg3[%add3A_6] : memref<16384xi32, #tpu.memory_space<hbm>> -> memref<128xi32, #tpu.memory_space<hbm>>
      %dma_wait3A_48 = tpu.memref_slice %arg3[%add3A_6] : memref<16384xi32, #tpu.memory_space<hbm>> -> memref<128xi32, #tpu.memory_space<hbm>>
      tpu.wait_dma2 semaphore(%run_scoped3A : memref<!tpu.dma_semaphore, #tpu.memory_space<semaphore_mem>>) src(%dma_wait3A_48 : memref<128xi32, #tpu.memory_space<hbm>>) dst(%arg8 : memref<128xi32, #tpu.memory_space<vmem>>)
      tpu.yield
    }) : () -> ()
    %dma_start3A = arith.constant 0 : i32
    %dma_start3A_7 = tpu.memref_slice %arg7[%dma_start3A] : memref<128xi32, #tpu.memory_space<vmem>> -> memref<128xi32, #tpu.memory_space<vmem>>
    %dma_start3A_8 = arith.constant 0 : i32
    %dma_start3A_9 = arith.constant 0 : i32
    %dma_start3A_10 = tpu.memref_slice %arg4[%dma_start3A_8, %dma_start3A_9] : memref<1000000x128xf32, #tpu.memory_space<hbm>> -> memref<1000000x128xf32, #tpu.memory_space<hbm>>
    tpu.enqueue_indirect_dma source(%dma_start3A_10 : memref<1000000x128xf32, #tpu.memory_space<hbm>>) target(%arg9 : memref<128x128xf32, #tpu.memory_space<vmem>>) offsets(%dma_start3A_7 : memref<128xi32, #tpu.memory_space<vmem>>) semaphore(%arg12 : memref<!tpu.dma_semaphore, #tpu.memory_space<semaphore_mem>>)
    %dma_start3A_11 = arith.constant 0 : i32
    %dma_start3A_12 = tpu.memref_slice %arg8[%dma_start3A_11] : memref<128xi32, #tpu.memory_space<vmem>> -> memref<128xi32, #tpu.memory_space<vmem>>
    %dma_start3A_13 = arith.constant 0 : i32
    %dma_start3A_14 = arith.constant 0 : i32
    %dma_start3A_15 = tpu.memref_slice %arg4[%dma_start3A_13, %dma_start3A_14] : memref<1000000x128xf32, #tpu.memory_space<hbm>> -> memref<1000000x128xf32, #tpu.memory_space<hbm>>
    tpu.enqueue_indirect_dma source(%dma_start3A_15 : memref<1000000x128xf32, #tpu.memory_space<hbm>>) target(%arg10 : memref<128x128xf32, #tpu.memory_space<vmem>>) offsets(%dma_start3A_12 : memref<128xi32, #tpu.memory_space<vmem>>) semaphore(%arg13 : memref<!tpu.dma_semaphore, #tpu.memory_space<semaphore_mem>>)
    %dma_wait3A = arith.constant 0 : i32
    %dma_wait3A_16 = tpu.memref_slice %arg7[%dma_wait3A] : memref<128xi32, #tpu.memory_space<vmem>> -> memref<128xi32, #tpu.memory_space<vmem>>
    %dma_wait3A_17 = arith.constant 0 : i32
    %dma_wait3A_18 = arith.constant 0 : i32
    %dma_wait3A_19 = tpu.memref_slice %arg4[%dma_wait3A_17, %dma_wait3A_18] : memref<1000000x128xf32, #tpu.memory_space<hbm>> -> memref<1000000x128xf32, #tpu.memory_space<hbm>>
    tpu.wait_indirect_dma semaphore(%arg12 : memref<!tpu.dma_semaphore, #tpu.memory_space<semaphore_mem>>) src(%dma_wait3A_19 : memref<1000000x128xf32, #tpu.memory_space<hbm>>) dst(%arg9 : memref<128x128xf32, #tpu.memory_space<vmem>>)
    %add3A_20 = arith.constant 0 : i32
    %add3A_21 = arith.addi %mul3A_2, %add3A_20 : i32
    %dma_start3A_22 = arith.constant 0 : i32
    %dma_start3A_23 = tpu.memref_slice %arg5[%add3A_21, %dma_start3A_22] : memref<4096x128xf32, #tpu.memory_space<hbm>> -> memref<128x128xf32, #tpu.memory_space<hbm>>
    %dma_start3A_24 = arith.constant 0 : i32
    %dma_start3A_25 = tpu.memref_slice %arg5[%add3A_21, %dma_start3A_24] : memref<4096x128xf32, #tpu.memory_space<hbm>> -> memref<128x128xf32, #tpu.memory_space<hbm>>
    tpu.enqueue_dma source(%arg9 : memref<128x128xf32, #tpu.memory_space<vmem>>) target(%dma_start3A_25 : memref<128x128xf32, #tpu.memory_space<hbm>>) target_semaphore(%arg15 : memref<!tpu.dma_semaphore, #tpu.memory_space<semaphore_mem>>)
    %dma_wait3A_26 = arith.constant 0 : i32
    %dma_wait3A_27 = tpu.memref_slice %arg8[%dma_wait3A_26] : memref<128xi32, #tpu.memory_space<vmem>> -> memref<128xi32, #tpu.memory_space<vmem>>
    %dma_wait3A_28 = arith.constant 0 : i32
    %dma_wait3A_29 = arith.constant 0 : i32
    %dma_wait3A_30 = tpu.memref_slice %arg4[%dma_wait3A_28, %dma_wait3A_29] : memref<1000000x128xf32, #tpu.memory_space<hbm>> -> memref<1000000x128xf32, #tpu.memory_space<hbm>>
    tpu.wait_indirect_dma semaphore(%arg13 : memref<!tpu.dma_semaphore, #tpu.memory_space<semaphore_mem>>) src(%dma_wait3A_30 : memref<1000000x128xf32, #tpu.memory_space<hbm>>) dst(%arg10 : memref<128x128xf32, #tpu.memory_space<vmem>>)
    %add3A_31 = arith.constant 0 : i32
    %add3A_32 = arith.addi %mul3A_2, %add3A_31 : i32
    %dma_start3A_33 = arith.constant 0 : i32
    %dma_start3A_34 = tpu.memref_slice %arg6[%add3A_32, %dma_start3A_33] : memref<4096x128xf32, #tpu.memory_space<hbm>> -> memref<128x128xf32, #tpu.memory_space<hbm>>
    %dma_start3A_35 = arith.constant 0 : i32
    %dma_start3A_36 = tpu.memref_slice %arg6[%add3A_32, %dma_start3A_35] : memref<4096x128xf32, #tpu.memory_space<hbm>> -> memref<128x128xf32, #tpu.memory_space<hbm>>
    tpu.enqueue_dma source(%arg10 : memref<128x128xf32, #tpu.memory_space<vmem>>) target(%dma_start3A_36 : memref<128x128xf32, #tpu.memory_space<hbm>>) target_semaphore(%arg15 : memref<!tpu.dma_semaphore, #tpu.memory_space<semaphore_mem>>)
    %dma_wait3A_37 = arith.constant 0 : i32
    %dma_wait3A_38 = tpu.memref_slice %arg5[%add3A_21, %dma_wait3A_37] : memref<4096x128xf32, #tpu.memory_space<hbm>> -> memref<128x128xf32, #tpu.memory_space<hbm>>
    %dma_wait3A_39 = arith.constant 0 : i32
    %dma_wait3A_40 = tpu.memref_slice %arg5[%add3A_21, %dma_wait3A_39] : memref<4096x128xf32, #tpu.memory_space<hbm>> -> memref<128x128xf32, #tpu.memory_space<hbm>>
    tpu.wait_dma2 semaphore(%arg15 : memref<!tpu.dma_semaphore, #tpu.memory_space<semaphore_mem>>) src(%arg9 : memref<128x128xf32, #tpu.memory_space<vmem>>) dst(%dma_wait3A_40 : memref<128x128xf32, #tpu.memory_space<hbm>>)
    %dma_wait3A_41 = arith.constant 0 : i32
    %dma_wait3A_42 = tpu.memref_slice %arg6[%add3A_32, %dma_wait3A_41] : memref<4096x128xf32, #tpu.memory_space<hbm>> -> memref<128x128xf32, #tpu.memory_space<hbm>>
    %dma_wait3A_43 = arith.constant 0 : i32
    %dma_wait3A_44 = tpu.memref_slice %arg6[%add3A_32, %dma_wait3A_43] : memref<4096x128xf32, #tpu.memory_space<hbm>> -> memref<128x128xf32, #tpu.memory_space<hbm>>
    tpu.wait_dma2 semaphore(%arg15 : memref<!tpu.dma_semaphore, #tpu.memory_space<semaphore_mem>>) src(%arg10 : memref<128x128xf32, #tpu.memory_space<vmem>>) dst(%dma_wait3A_44 : memref<128x128xf32, #tpu.memory_space<hbm>>)
    return
  }
}

module attributes {stable_mosaic.version = 14 : i64} {
  func.func @_mlp_body(%arg0: i32, %arg1: memref<4096x128xf32, #tpu.memory_space<vmem>>, %arg2: memref<4096x128xf32, #tpu.memory_space<vmem>>, %arg3: memref<2x128x128xf32, #tpu.memory_space<vmem>>, %arg4: memref<128xf32, #tpu.memory_space<vmem>>, %arg5: memref<128x64xf32, #tpu.memory_space<vmem>>, %arg6: memref<64xf32, #tpu.memory_space<vmem>>, %arg7: memref<64x32xf32, #tpu.memory_space<vmem>>, %arg8: memref<32xf32, #tpu.memory_space<vmem>>, %arg9: memref<1x32xf32, #tpu.memory_space<vmem>>, %arg10: memref<1xf32, #tpu.memory_space<vmem>>, %arg11: memref<4096xf32, #tpu.memory_space<vmem>>) attributes {dimension_semantics = [#tpu.dimension_semantics<arbitrary>], iteration_bounds = array<i64: 3>, scalar_prefetch = 0 : i64, scratch_operands = 0 : i64, tpu.core_type = #tpu.core_type<tc>, window_params = [{transform_indices = @transform_0, window_bounds = array<i64: 4096, 128>}, {transform_indices = @transform_1, window_bounds = array<i64: 4096, 128>}, {pipeline_mode = #tpu.pipeline_mode<synchronous>, transform_indices = @transform_2, window_bounds = array<i64: 2, 128, 128>}, {pipeline_mode = #tpu.pipeline_mode<synchronous>, transform_indices = @transform_3, window_bounds = array<i64: 128>}, {pipeline_mode = #tpu.pipeline_mode<synchronous>, transform_indices = @transform_4, window_bounds = array<i64: 128, 64>}, {pipeline_mode = #tpu.pipeline_mode<synchronous>, transform_indices = @transform_5, window_bounds = array<i64: 64>}, {pipeline_mode = #tpu.pipeline_mode<synchronous>, transform_indices = @transform_6, window_bounds = array<i64: 64, 32>}, {pipeline_mode = #tpu.pipeline_mode<synchronous>, transform_indices = @transform_7, window_bounds = array<i64: 32>}, {pipeline_mode = #tpu.pipeline_mode<synchronous>, transform_indices = @transform_8, window_bounds = array<i64: 1, 32>}, {pipeline_mode = #tpu.pipeline_mode<synchronous>, transform_indices = @transform_9, window_bounds = array<i64: 1>}, {transform_indices = @transform_10, window_bounds = array<i64: 4096>}]} {
    %get3A = arith.constant 0 : index
    %get3A_0 = arith.constant 0 : index
    %get3A_1 = vector.load %arg1[%get3A, %get3A_0] : memref<4096x128xf32, #tpu.memory_space<vmem>>, vector<4096x128xf32>
    %get3A_2 = arith.constant 0 : index
    %get3A_3 = arith.constant 0 : index
    %get3A_4 = vector.load %arg2[%get3A_2, %get3A_3] : memref<4096x128xf32, #tpu.memory_space<vmem>>, vector<4096x128xf32>
    %get3A_5 = arith.constant 0 : index
    %get3A_6 = arith.constant 0 : index
    %get3A_7 = arith.constant 0 : index
    %get3A_8 = vector.load %arg3[%get3A_5, %get3A_6, %get3A_7] : memref<2x128x128xf32, #tpu.memory_space<vmem>>, vector<1x128x128xf32>
    %get3A_9 = vector.shape_cast %get3A_8 : vector<1x128x128xf32> to vector<128x128xf32>
    %dot_general3A = arith.constant dense<0.000000e+00> : vector<4096x128xf32>
    %dot_general3A_10 = tpu.matmul %get3A_1, %get3A_9, %dot_general3A {dimension_numbers = #tpu.dot_dimension_numbers<[1], [0], [0], [1], [0, 0, 1, 1], [], []>, transpose_lhs_hint = false} : vector<4096x128xf32>, vector<128x128xf32>, vector<4096x128xf32> -> vector<4096x128xf32>
    %get3A_11 = arith.constant 1 : index
    %get3A_12 = arith.constant 0 : index
    %get3A_13 = arith.constant 0 : index
    %get3A_14 = vector.load %arg3[%get3A_11, %get3A_12, %get3A_13] : memref<2x128x128xf32, #tpu.memory_space<vmem>>, vector<1x128x128xf32>
    %get3A_15 = vector.shape_cast %get3A_14 : vector<1x128x128xf32> to vector<128x128xf32>
    %dot_general3A_16 = arith.constant dense<0.000000e+00> : vector<4096x128xf32>
    %dot_general3A_17 = tpu.matmul %get3A_4, %get3A_15, %dot_general3A_16 {dimension_numbers = #tpu.dot_dimension_numbers<[1], [0], [0], [1], [0, 0, 1, 1], [], []>, transpose_lhs_hint = false} : vector<4096x128xf32>, vector<128x128xf32>, vector<4096x128xf32> -> vector<4096x128xf32>
    %add3A = arith.addf %dot_general3A_10, %dot_general3A_17 : vector<4096x128xf32>
    %get3A_18 = arith.constant 0 : index
    %get3A_19 = vector.load %arg4[%get3A_18] : memref<128xf32, #tpu.memory_space<vmem>>, vector<128xf32>
    %broadcast_in_dim3A = vector.shape_cast %get3A_19 : vector<128xf32> to vector<1x128xf32>
    %add3A_20 = vector.broadcast %broadcast_in_dim3A : vector<1x128xf32> to vector<4096x128xf32>
    %add3A_21 = arith.addf %add3A, %add3A_20 : vector<4096x128xf32>
    %max3A = arith.constant 0.000000e+00 : f32
    %max3A_22 = vector.broadcast %max3A : f32 to vector<4096x128xf32>
    %max3A_23 = arith.maximumf %add3A_21, %max3A_22 : vector<4096x128xf32>
    %get3A_24 = arith.constant 0 : index
    %get3A_25 = arith.constant 0 : index
    %get3A_26 = vector.load %arg5[%get3A_24, %get3A_25] : memref<128x64xf32, #tpu.memory_space<vmem>>, vector<128x64xf32>
    %dot_general3A_27 = arith.constant dense<0.000000e+00> : vector<4096x64xf32>
    %dot_general3A_28 = tpu.matmul %max3A_23, %get3A_26, %dot_general3A_27 {dimension_numbers = #tpu.dot_dimension_numbers<[1], [0], [0], [1], [0, 0, 1, 1], [], []>, transpose_lhs_hint = false} : vector<4096x128xf32>, vector<128x64xf32>, vector<4096x64xf32> -> vector<4096x64xf32>
    %get3A_29 = arith.constant 0 : index
    %get3A_30 = vector.load %arg6[%get3A_29] : memref<64xf32, #tpu.memory_space<vmem>>, vector<64xf32>
    %broadcast_in_dim3A_31 = vector.shape_cast %get3A_30 : vector<64xf32> to vector<1x64xf32>
    %add3A_32 = vector.broadcast %broadcast_in_dim3A_31 : vector<1x64xf32> to vector<4096x64xf32>
    %add3A_33 = arith.addf %dot_general3A_28, %add3A_32 : vector<4096x64xf32>
    %max3A_34 = arith.constant 0.000000e+00 : f32
    %max3A_35 = vector.broadcast %max3A_34 : f32 to vector<4096x64xf32>
    %max3A_36 = arith.maximumf %add3A_33, %max3A_35 : vector<4096x64xf32>
    %get3A_37 = arith.constant 0 : index
    %get3A_38 = arith.constant 0 : index
    %get3A_39 = vector.load %arg7[%get3A_37, %get3A_38] : memref<64x32xf32, #tpu.memory_space<vmem>>, vector<64x32xf32>
    %dot_general3A_40 = arith.constant dense<0.000000e+00> : vector<4096x32xf32>
    %dot_general3A_41 = tpu.matmul %max3A_36, %get3A_39, %dot_general3A_40 {dimension_numbers = #tpu.dot_dimension_numbers<[1], [0], [0], [1], [0, 0, 1, 1], [], []>, transpose_lhs_hint = false} : vector<4096x64xf32>, vector<64x32xf32>, vector<4096x32xf32> -> vector<4096x32xf32>
    %get3A_42 = arith.constant 0 : index
    %get3A_43 = vector.load %arg8[%get3A_42] : memref<32xf32, #tpu.memory_space<vmem>>, vector<32xf32>
    %broadcast_in_dim3A_44 = vector.shape_cast %get3A_43 : vector<32xf32> to vector<1x32xf32>
    %add3A_45 = vector.broadcast %broadcast_in_dim3A_44 : vector<1x32xf32> to vector<4096x32xf32>
    %add3A_46 = arith.addf %dot_general3A_41, %add3A_45 : vector<4096x32xf32>
    %max3A_47 = arith.constant 0.000000e+00 : f32
    %max3A_48 = vector.broadcast %max3A_47 : f32 to vector<4096x32xf32>
    %max3A_49 = arith.maximumf %add3A_46, %max3A_48 : vector<4096x32xf32>
    %get3A_50 = arith.constant 0 : index
    %get3A_51 = arith.constant 0 : index
    %get3A_52 = vector.load %arg9[%get3A_50, %get3A_51] : memref<1x32xf32, #tpu.memory_space<vmem>>, vector<1x32xf32>
    %dot_general3A_53 = arith.constant dense<0.000000e+00> : vector<1x4096xf32>
    %dot_general3A_54 = tpu.matmul %get3A_52, %max3A_49, %dot_general3A_53 {dimension_numbers = #tpu.dot_dimension_numbers<[1], [1], [0], [0], [0, 0, 1, 0], [], []>, transpose_lhs_hint = false} : vector<1x32xf32>, vector<4096x32xf32>, vector<1x4096xf32> -> vector<1x4096xf32>
    %squeeze3A = vector.shape_cast %dot_general3A_54 : vector<1x4096xf32> to vector<4096xf32>
    %get3A_55 = arith.constant 0 : index
    %get3A_56 = vector.load %arg10[%get3A_55] : memref<1xf32, #tpu.memory_space<vmem>>, vector<1xf32>
    %get3A_57 = vector.extract %get3A_56[0] : f32 from vector<1xf32>
    %add3A_58 = vector.broadcast %get3A_57 : f32 to vector<4096xf32>
    %add3A_59 = arith.addf %squeeze3A, %add3A_58 : vector<4096xf32>
    %neg3A = arith.constant 0.000000e+00 : f32
    %neg3A_60 = vector.broadcast %neg3A : f32 to vector<4096xf32>
    %neg3A_61 = arith.subf %neg3A_60, %add3A_59 : vector<4096xf32>
    %exp3A = math.exp %neg3A_61 : vector<4096xf32>
    %add3A_62 = arith.constant 1.000000e+00 : f32
    %add3A_63 = vector.broadcast %add3A_62 : f32 to vector<4096xf32>
    %add3A_64 = arith.addf %add3A_63, %exp3A : vector<4096xf32>
    %div3A = arith.constant 1.000000e+00 : f32
    %div3A_65 = vector.broadcast %div3A : f32 to vector<4096xf32>
    %div3A_66 = arith.divf %div3A_65, %add3A_64 : vector<4096xf32>
    %swap3A = arith.constant 0 : index
    %swap3A_67 = vector.load %arg11[%swap3A] : memref<4096xf32, #tpu.memory_space<vmem>>, vector<4096xf32>
    tpu.vector_store %arg11[%swap3A], %div3A_66 {strides = array<i32>} : memref<4096xf32, #tpu.memory_space<vmem>>, vector<4096xf32>,
    return
  }
  func.func @transform_0(%arg0: i32) -> (i32, i32) {
    %c0_i32 = arith.constant 0 : i32
    %c0_i32_0 = arith.constant 0 : i32
    return %arg0, %c0_i32 : i32, i32
  }
  func.func @transform_1(%arg0: i32) -> (i32, i32) {
    %c0_i32 = arith.constant 0 : i32
    %c0_i32_0 = arith.constant 0 : i32
    return %arg0, %c0_i32 : i32, i32
  }
  func.func @transform_2(%arg0: i32) -> (i32, i32, i32) {
    %c0_i32 = arith.constant 0 : i32
    %c0_i32_0 = arith.constant 0 : i32
    %c0_i32_1 = arith.constant 0 : i32
    %c0_i32_2 = arith.constant 0 : i32
    return %c0_i32, %c0_i32_0, %c0_i32_1 : i32, i32, i32
  }
  func.func @transform_3(%arg0: i32) -> i32 {
    %c0_i32 = arith.constant 0 : i32
    %c0_i32_0 = arith.constant 0 : i32
    return %c0_i32 : i32
  }
  func.func @transform_4(%arg0: i32) -> (i32, i32) {
    %c0_i32 = arith.constant 0 : i32
    %c0_i32_0 = arith.constant 0 : i32
    %c0_i32_1 = arith.constant 0 : i32
    return %c0_i32, %c0_i32_0 : i32, i32
  }
  func.func @transform_5(%arg0: i32) -> i32 {
    %c0_i32 = arith.constant 0 : i32
    %c0_i32_0 = arith.constant 0 : i32
    return %c0_i32 : i32
  }
  func.func @transform_6(%arg0: i32) -> (i32, i32) {
    %c0_i32 = arith.constant 0 : i32
    %c0_i32_0 = arith.constant 0 : i32
    %c0_i32_1 = arith.constant 0 : i32
    return %c0_i32, %c0_i32_0 : i32, i32
  }
  func.func @transform_7(%arg0: i32) -> i32 {
    %c0_i32 = arith.constant 0 : i32
    %c0_i32_0 = arith.constant 0 : i32
    return %c0_i32 : i32
  }
  func.func @transform_8(%arg0: i32) -> (i32, i32) {
    %c0_i32 = arith.constant 0 : i32
    %c0_i32_0 = arith.constant 0 : i32
    %c0_i32_1 = arith.constant 0 : i32
    return %c0_i32, %c0_i32_0 : i32, i32
  }
  func.func @transform_9(%arg0: i32) -> i32 {
    %c0_i32 = arith.constant 0 : i32
    %c0_i32_0 = arith.constant 0 : i32
    return %c0_i32 : i32
  }
  func.func @transform_10(%arg0: i32) -> i32 {
    %add3A = arith.constant 0 : i32
    %add3A_0 = arith.addi %add3A, %arg0 : i32
    %c0_i32 = arith.constant 0 : i32
    return %add3A_0 : i32
  }
}

module attributes {stable_mosaic.version = 14 : i64} {
  func.func @_mlp_body_acc(%arg0: i32, %arg1: memref<16384xf32, #tpu.memory_space<any>>, %arg2: memref<4096x128xf32, #tpu.memory_space<vmem>>, %arg3: memref<4096x128xf32, #tpu.memory_space<vmem>>, %arg4: memref<2x128x128xf32, #tpu.memory_space<vmem>>, %arg5: memref<128xf32, #tpu.memory_space<vmem>>, %arg6: memref<128x64xf32, #tpu.memory_space<vmem>>, %arg7: memref<64xf32, #tpu.memory_space<vmem>>, %arg8: memref<64x32xf32, #tpu.memory_space<vmem>>, %arg9: memref<32xf32, #tpu.memory_space<vmem>>, %arg10: memref<1x32xf32, #tpu.memory_space<vmem>>, %arg11: memref<1xf32, #tpu.memory_space<vmem>>, %arg12: memref<4096xf32, #tpu.memory_space<vmem>>) attributes {dimension_semantics = [#tpu.dimension_semantics<arbitrary>], iteration_bounds = array<i64: 1>, scalar_prefetch = 0 : i64, scratch_operands = 0 : i64, tpu.core_type = #tpu.core_type<tc>, window_params = [{}, {transform_indices = @transform_1, window_bounds = array<i64: 4096, 128>}, {transform_indices = @transform_2, window_bounds = array<i64: 4096, 128>}, {pipeline_mode = #tpu.pipeline_mode<synchronous>, transform_indices = @transform_3, window_bounds = array<i64: 2, 128, 128>}, {pipeline_mode = #tpu.pipeline_mode<synchronous>, transform_indices = @transform_4, window_bounds = array<i64: 128>}, {pipeline_mode = #tpu.pipeline_mode<synchronous>, transform_indices = @transform_5, window_bounds = array<i64: 128, 64>}, {pipeline_mode = #tpu.pipeline_mode<synchronous>, transform_indices = @transform_6, window_bounds = array<i64: 64>}, {pipeline_mode = #tpu.pipeline_mode<synchronous>, transform_indices = @transform_7, window_bounds = array<i64: 64, 32>}, {pipeline_mode = #tpu.pipeline_mode<synchronous>, transform_indices = @transform_8, window_bounds = array<i64: 32>}, {pipeline_mode = #tpu.pipeline_mode<synchronous>, transform_indices = @transform_9, window_bounds = array<i64: 1, 32>}, {pipeline_mode = #tpu.pipeline_mode<synchronous>, transform_indices = @transform_10, window_bounds = array<i64: 1>}, {transform_indices = @transform_11, window_bounds = array<i64: 4096>}]} {
    %get3A = arith.constant 0 : index
    %get3A_0 = arith.constant 0 : index
    %get3A_1 = vector.load %arg2[%get3A, %get3A_0] : memref<4096x128xf32, #tpu.memory_space<vmem>>, vector<4096x128xf32>
    %get3A_2 = arith.constant 0 : index
    %get3A_3 = arith.constant 0 : index
    %get3A_4 = vector.load %arg3[%get3A_2, %get3A_3] : memref<4096x128xf32, #tpu.memory_space<vmem>>, vector<4096x128xf32>
    %get3A_5 = arith.constant 0 : index
    %get3A_6 = arith.constant 0 : index
    %get3A_7 = arith.constant 0 : index
    %get3A_8 = vector.load %arg4[%get3A_5, %get3A_6, %get3A_7] : memref<2x128x128xf32, #tpu.memory_space<vmem>>, vector<1x128x128xf32>
    %get3A_9 = vector.shape_cast %get3A_8 : vector<1x128x128xf32> to vector<128x128xf32>
    %dot_general3A = arith.constant dense<0.000000e+00> : vector<4096x128xf32>
    %dot_general3A_10 = tpu.matmul %get3A_1, %get3A_9, %dot_general3A {dimension_numbers = #tpu.dot_dimension_numbers<[1], [0], [0], [1], [0, 0, 1, 1], [], []>, transpose_lhs_hint = false} : vector<4096x128xf32>, vector<128x128xf32>, vector<4096x128xf32> -> vector<4096x128xf32>
    %get3A_11 = arith.constant 1 : index
    %get3A_12 = arith.constant 0 : index
    %get3A_13 = arith.constant 0 : index
    %get3A_14 = vector.load %arg4[%get3A_11, %get3A_12, %get3A_13] : memref<2x128x128xf32, #tpu.memory_space<vmem>>, vector<1x128x128xf32>
    %get3A_15 = vector.shape_cast %get3A_14 : vector<1x128x128xf32> to vector<128x128xf32>
    %dot_general3A_16 = arith.constant dense<0.000000e+00> : vector<4096x128xf32>
    %dot_general3A_17 = tpu.matmul %get3A_4, %get3A_15, %dot_general3A_16 {dimension_numbers = #tpu.dot_dimension_numbers<[1], [0], [0], [1], [0, 0, 1, 1], [], []>, transpose_lhs_hint = false} : vector<4096x128xf32>, vector<128x128xf32>, vector<4096x128xf32> -> vector<4096x128xf32>
    %add3A = arith.addf %dot_general3A_10, %dot_general3A_17 : vector<4096x128xf32>
    %get3A_18 = arith.constant 0 : index
    %get3A_19 = vector.load %arg5[%get3A_18] : memref<128xf32, #tpu.memory_space<vmem>>, vector<128xf32>
    %broadcast_in_dim3A = vector.shape_cast %get3A_19 : vector<128xf32> to vector<1x128xf32>
    %add3A_20 = vector.broadcast %broadcast_in_dim3A : vector<1x128xf32> to vector<4096x128xf32>
    %add3A_21 = arith.addf %add3A, %add3A_20 : vector<4096x128xf32>
    %max3A = arith.constant 0.000000e+00 : f32
    %max3A_22 = vector.broadcast %max3A : f32 to vector<4096x128xf32>
    %max3A_23 = arith.maximumf %add3A_21, %max3A_22 : vector<4096x128xf32>
    %get3A_24 = arith.constant 0 : index
    %get3A_25 = arith.constant 0 : index
    %get3A_26 = vector.load %arg6[%get3A_24, %get3A_25] : memref<128x64xf32, #tpu.memory_space<vmem>>, vector<128x64xf32>
    %dot_general3A_27 = arith.constant dense<0.000000e+00> : vector<4096x64xf32>
    %dot_general3A_28 = tpu.matmul %max3A_23, %get3A_26, %dot_general3A_27 {dimension_numbers = #tpu.dot_dimension_numbers<[1], [0], [0], [1], [0, 0, 1, 1], [], []>, transpose_lhs_hint = false} : vector<4096x128xf32>, vector<128x64xf32>, vector<4096x64xf32> -> vector<4096x64xf32>
    %get3A_29 = arith.constant 0 : index
    %get3A_30 = vector.load %arg7[%get3A_29] : memref<64xf32, #tpu.memory_space<vmem>>, vector<64xf32>
    %broadcast_in_dim3A_31 = vector.shape_cast %get3A_30 : vector<64xf32> to vector<1x64xf32>
    %add3A_32 = vector.broadcast %broadcast_in_dim3A_31 : vector<1x64xf32> to vector<4096x64xf32>
    %add3A_33 = arith.addf %dot_general3A_28, %add3A_32 : vector<4096x64xf32>
    %max3A_34 = arith.constant 0.000000e+00 : f32
    %max3A_35 = vector.broadcast %max3A_34 : f32 to vector<4096x64xf32>
    %max3A_36 = arith.maximumf %add3A_33, %max3A_35 : vector<4096x64xf32>
    %get3A_37 = arith.constant 0 : index
    %get3A_38 = arith.constant 0 : index
    %get3A_39 = vector.load %arg8[%get3A_37, %get3A_38] : memref<64x32xf32, #tpu.memory_space<vmem>>, vector<64x32xf32>
    %dot_general3A_40 = arith.constant dense<0.000000e+00> : vector<4096x32xf32>
    %dot_general3A_41 = tpu.matmul %max3A_36, %get3A_39, %dot_general3A_40 {dimension_numbers = #tpu.dot_dimension_numbers<[1], [0], [0], [1], [0, 0, 1, 1], [], []>, transpose_lhs_hint = false} : vector<4096x64xf32>, vector<64x32xf32>, vector<4096x32xf32> -> vector<4096x32xf32>
    %get3A_42 = arith.constant 0 : index
    %get3A_43 = vector.load %arg9[%get3A_42] : memref<32xf32, #tpu.memory_space<vmem>>, vector<32xf32>
    %broadcast_in_dim3A_44 = vector.shape_cast %get3A_43 : vector<32xf32> to vector<1x32xf32>
    %add3A_45 = vector.broadcast %broadcast_in_dim3A_44 : vector<1x32xf32> to vector<4096x32xf32>
    %add3A_46 = arith.addf %dot_general3A_41, %add3A_45 : vector<4096x32xf32>
    %max3A_47 = arith.constant 0.000000e+00 : f32
    %max3A_48 = vector.broadcast %max3A_47 : f32 to vector<4096x32xf32>
    %max3A_49 = arith.maximumf %add3A_46, %max3A_48 : vector<4096x32xf32>
    %get3A_50 = arith.constant 0 : index
    %get3A_51 = arith.constant 0 : index
    %get3A_52 = vector.load %arg10[%get3A_50, %get3A_51] : memref<1x32xf32, #tpu.memory_space<vmem>>, vector<1x32xf32>
    %dot_general3A_53 = arith.constant dense<0.000000e+00> : vector<1x4096xf32>
    %dot_general3A_54 = tpu.matmul %get3A_52, %max3A_49, %dot_general3A_53 {dimension_numbers = #tpu.dot_dimension_numbers<[1], [1], [0], [0], [0, 0, 1, 0], [], []>, transpose_lhs_hint = false} : vector<1x32xf32>, vector<4096x32xf32>, vector<1x4096xf32> -> vector<1x4096xf32>
    %squeeze3A = vector.shape_cast %dot_general3A_54 : vector<1x4096xf32> to vector<4096xf32>
    %get3A_55 = arith.constant 0 : index
    %get3A_56 = vector.load %arg11[%get3A_55] : memref<1xf32, #tpu.memory_space<vmem>>, vector<1xf32>
    %get3A_57 = vector.extract %get3A_56[0] : f32 from vector<1xf32>
    %add3A_58 = vector.broadcast %get3A_57 : f32 to vector<4096xf32>
    %add3A_59 = arith.addf %squeeze3A, %add3A_58 : vector<4096xf32>
    %neg3A = arith.constant 0.000000e+00 : f32
    %neg3A_60 = vector.broadcast %neg3A : f32 to vector<4096xf32>
    %neg3A_61 = arith.subf %neg3A_60, %add3A_59 : vector<4096xf32>
    %exp3A = math.exp %neg3A_61 : vector<4096xf32>
    %add3A_62 = arith.constant 1.000000e+00 : f32
    %add3A_63 = vector.broadcast %add3A_62 : f32 to vector<4096xf32>
    %add3A_64 = arith.addf %add3A_63, %exp3A : vector<4096xf32>
    %div3A = arith.constant 1.000000e+00 : f32
    %div3A_65 = vector.broadcast %div3A : f32 to vector<4096xf32>
    %div3A_66 = arith.divf %div3A_65, %add3A_64 : vector<4096xf32>
    %swap3A = arith.constant 0 : index
    %swap3A_67 = vector.load %arg12[%swap3A] : memref<4096xf32, #tpu.memory_space<vmem>>, vector<4096xf32>
    tpu.vector_store %arg12[%swap3A], %div3A_66 {strides = array<i32>} : memref<4096xf32, #tpu.memory_space<vmem>>, vector<4096xf32>,
    return
  }
  func.func @transform_1(%arg0: i32) -> (i32, i32) {
    %c0_i32 = arith.constant 0 : i32
    %c0_i32_0 = arith.constant 0 : i32
    return %arg0, %c0_i32 : i32, i32
  }
  func.func @transform_2(%arg0: i32) -> (i32, i32) {
    %c0_i32 = arith.constant 0 : i32
    %c0_i32_0 = arith.constant 0 : i32
    return %arg0, %c0_i32 : i32, i32
  }
  func.func @transform_3(%arg0: i32) -> (i32, i32, i32) {
    %c0_i32 = arith.constant 0 : i32
    %c0_i32_0 = arith.constant 0 : i32
    %c0_i32_1 = arith.constant 0 : i32
    %c0_i32_2 = arith.constant 0 : i32
    return %c0_i32, %c0_i32_0, %c0_i32_1 : i32, i32, i32
  }
  func.func @transform_4(%arg0: i32) -> i32 {
    %c0_i32 = arith.constant 0 : i32
    %c0_i32_0 = arith.constant 0 : i32
    return %c0_i32 : i32
  }
  func.func @transform_5(%arg0: i32) -> (i32, i32) {
    %c0_i32 = arith.constant 0 : i32
    %c0_i32_0 = arith.constant 0 : i32
    %c0_i32_1 = arith.constant 0 : i32
    return %c0_i32, %c0_i32_0 : i32, i32
  }
  func.func @transform_6(%arg0: i32) -> i32 {
    %c0_i32 = arith.constant 0 : i32
    %c0_i32_0 = arith.constant 0 : i32
    return %c0_i32 : i32
  }
  func.func @transform_7(%arg0: i32) -> (i32, i32) {
    %c0_i32 = arith.constant 0 : i32
    %c0_i32_0 = arith.constant 0 : i32
    %c0_i32_1 = arith.constant 0 : i32
    return %c0_i32, %c0_i32_0 : i32, i32
  }
  func.func @transform_8(%arg0: i32) -> i32 {
    %c0_i32 = arith.constant 0 : i32
    %c0_i32_0 = arith.constant 0 : i32
    return %c0_i32 : i32
  }
  func.func @transform_9(%arg0: i32) -> (i32, i32) {
    %c0_i32 = arith.constant 0 : i32
    %c0_i32_0 = arith.constant 0 : i32
    %c0_i32_1 = arith.constant 0 : i32
    return %c0_i32, %c0_i32_0 : i32, i32
  }
  func.func @transform_10(%arg0: i32) -> i32 {
    %c0_i32 = arith.constant 0 : i32
    %c0_i32_0 = arith.constant 0 : i32
    return %c0_i32 : i32
  }
  func.func @transform_11(%arg0: i32) -> i32 {
    %add3A = arith.constant 3 : i32
    %add3A_0 = arith.addi %add3A, %arg0 : i32
    %c0_i32 = arith.constant 0 : i32
    return %add3A_0 : i32
  }
}

</mosaic_0001>

<sc_bundles>
// kernel: kernel.6.cloned.1.call-start
scs
__scs_entry_jumppad:
0x0: {  	(pc) =	sbr.rel $0x88, $3  }
0x1: {  	(tag) =	ssettag $0x0;
	lr =	simm.s32 $0x1  }
0x2: {  	[smem:$0x3F96] =	sst lr;
	_ =	strace $0xD0000000  }
0x3: {  	_ = 	snop  }
0x4: {  	_ = 	snop  }
0x5: {  	_ = 	snop  }
0x6: {  	_ = 	snop  }
0x7: {  	_ = 	snop  }
__scs_overlays_trampoline_lowered:
0x8: {  	[smem:$0x3FA5] =	sst s0  }
0x9: {  	[smem:$0x3FA6] =	sst s1  }
0xa: {  	[smem:$0x3FA7] =	sst s2  }
0xb: {  	[smem:$0x3FA8] =	sst s3  }
0xc: {  	[smem:$0x3FA9] =	sst s4  }
0xd: {  	[smem:$0x3FAA] =	sst s5  }
0xe: {  	[smem:$0x3FAB] =	sst s6  }
0xf: {  	[smem:$0x3FAC] =	sst s7  }
0x10: {  	[smem:$0x3FAD] =	sst s8  }
0x11: {  	[smem:$0x3FAE] =	sst s9;
	s0 =	simm.s32 @!p0 $0x0  }
0x12: {  	s1 =	sld [smem:$0x3F94];
	s0 =	simm.s32 @p0 $0x1  }
0x13: {  	[smem:$0x3FAF] =	sst s0;
	s0 =	simm.s32 @!p1 $0x0  }
0x14: {  	s2 =	sld [smem:$0x3F93];
	s0 =	simm.s32 @p1 $0x1  }
0x15: {  	[smem:$0x3FB0] =	sst s0;
	s0 =	simm.s32 @!p2 $0x0  }
0x16: {  	s3 =	sld [smem:$0x3FDB];
	s0 =	simm.s32 @p2 $0x1  }
0x17: {  	s4 =	simm.s32 $0x1BF5;
	[smem:$0x3FB2] =	sst s0  }
0x18: {  	s0 =	sld [smem:$0x3F95];
	_ =	swait.ge [sflag:s4], $0x0  }
0x19: {  	s7 =	sld [smem:$0x3F96]  }
0x1a: {  	s8 =	sadd.s32 $0xFFFFE003, lr  }
0x1b: {  	s9 =	sadd.s32 $0xFFFFFEF7, lr;
	s5 =	simm.s32 $0xFFFFFFFF;
	p2 =	slt.u32 s8, $0xFFFFF086  }
0x1c: {  	p1 =	slt.u32 s9, $0xF7A;
	s5 =	simm.s32 @!p2 $0x0  }
0x1d: {  	s5 =	simm.s32 @p1 $0x1;
	p0 =	seq.s32 s7, s2  }
0x1e: {  	s7 =	smul.u32 @!p0 $0xF7A, s2;
	p2 =	seq.s32 @!p0 s5, $0x0  }
0x1f: {  	s9 =	smul.u32 $0xF7A, s1;
	s8 =	simm.s32 @!p0 $0x1BF5;
	p2 =	por !p2, p0  }
0x20: {  	[sflag:s8] =	ssyncset.s32 @!p0 $0xFFFFF086;
	s6 =	sadd.s32 @!p0 s3, s7;
	s7 =	simm.s32 @!p0 $0x108  }
0x21: {  	s3 =	sadd.s32 s3, s9;
	s6 =	sadd.s32 @!p0 $0x88, s6;
	s7 =	simm.s32 @p2 $0x1082  }
0x22: {  	[simem:s7], [sflag:s8] =	dma.local @!p0 [hbm:s6], $0xF7A  }
0x23: {  	s9 =	sor.u32 $0xD0000000, s2;
	s6 =	simm.s32 $0x108;
	_ =	swait.ge @!p0 [sflag:s8], $0x0  }
0x24: {  	s3 =	sadd.s32 $0x88, s3;
	s6 =	simm.s32 @!p1 $0x1082;
	[sflag:s4] =	ssyncset.s32 $0xFFFFF086  }
0x25: {  	[simem:s6], [sflag:s4] =	dma.local [hbm:s3], $0xF7A  }
0x26: {  	[smem:$0x3F96] =	sst s1;
	(tag) =	ssettag s2;
	_ =	strace s9  }
0x27: {  	s1 =	sld [smem:$0x3FA6]  }
0x28: {  	s2 =	sld [smem:$0x3FA7]  }
0x29: {  	s4 =	sld [smem:$0x3FA9]  }
0x2a: {  	p0 =	seq.s32 s5, $0x0;
	s5 =	sld [smem:$0x3FAA]  }
0x2b: {  	s6 =	sld [smem:$0x3FAB]  }
0x2c: {  	s7 =	sld [smem:$0x3FAC]  }
0x2d: {  	s3 =	simm.s32 $0x108;
	s8 =	sld [smem:$0x3FAD]  }
0x2e: {  	s3 =	simm.s32 @!p0 $0x1082;
	s9 =	sld [smem:$0x3FAE]  }
0x2f: {  	lr =	sadd.s32 s0, s3;
	s0 =	sld [smem:$0x3FA5]  }
0x30: {  	s3 =	sld [smem:$0x3FA8]  }
0x31: {  	[smem:$0x3FB1] =	sst s10  }
0x32: {  	s10 =	sld [smem:$0x3FAF];
	_ =	sdelay $0x3  }
0x33: {  	p0 =	seq.s32 s10, $0x1;
	s10 =	sld [smem:$0x3FB1];
	_ =	sdelay $0x3  }
0x34: {  	[smem:$0x3FB1] =	sst s10  }
0x35: {  	s10 =	sld [smem:$0x3FB0];
	_ =	sdelay $0x3  }
0x36: {  	p1 =	seq.s32 s10, $0x1;
	s10 =	sld [smem:$0x3FB1];
	_ =	sdelay $0x3  }
0x37: {  	[smem:$0x3FB1] =	sst s10  }
0x38: {  	s10 =	sld [smem:$0x3FB2]  }
0x39: {  	_ = 	snop;
	(pc) =	sbr.ind lr, $3  }
0x3a: {  	_ = 	snop  }
0x3b: {  	_ = 	snop  }
0x3c: {  	p2 =	seq.s32 s10, $0x1;
	s10 =	sld [smem:$0x3FB1]  }
0x3d: {  	_ =	shalt  }
0x3e: {  	_ =	shalt  }
0x3f: {  	_ =	shalt  }
0x40: {  	_ =	shalt  }
0x41: {  	_ =	shalt  }
0x42: {  	_ =	shalt  }
0x43: {  	_ =	shalt  }
0x44: {  	_ =	shalt  }
0x45: {  	_ =	shalt  }
0x46: {  	_ =	shalt  }
0x47: {  	_ =	shalt  }
0x48: {  	_ =	shalt  }
0x49: {  	_ =	shalt  }
0x4a: {  	_ =	shalt  }
0x4b: {  	_ =	shalt  }
0x4c: {  	_ =	shalt  }
0x4d: {  	_ =	shalt  }
0x4e: {  	_ =	shalt  }
0x4f: {  	_ =	shalt  }
0x50: {  	_ =	shalt  }
0x51: {  	_ =	shalt  }
0x52: {  	_ =	shalt  }
0x53: {  	_ =	shalt  }
0x54: {  	_ =	shalt  }
0x55: {  	_ =	shalt  }
0x56: {  	_ =	shalt  }
0x57: {  	_ =	shalt  }
0x58: {  	_ =	shalt  }
0x59: {  	_ =	shalt  }
0x5a: {  	_ =	shalt  }
0x5b: {  	_ =	shalt  }
0x5c: {  	_ =	shalt  }
0x5d: {  	_ =	shalt  }
0x5e: {  	_ =	shalt  }
0x5f: {  	_ =	shalt  }
0x60: {  	_ =	shalt  }
0x61: {  	_ =	shalt  }
0x62: {  	_ =	shalt  }
0x63: {  	_ =	shalt  }
0x64: {  	_ =	shalt  }
0x65: {  	_ =	shalt  }
0x66: {  	_ =	shalt  }
0x67: {  	_ =	shalt  }
0x68: {  	_ =	shalt  }
0x69: {  	_ =	shalt  }
0x6a: {  	_ =	shalt  }
0x6b: {  	_ =	shalt  }
0x6c: {  	_ =	shalt  }
0x6d: {  	_ =	shalt  }
0x6e: {  	_ =	shalt  }
0x6f: {  	_ =	shalt  }
0x70: {  	_ =	shalt  }
0x71: {  	_ =	shalt  }
0x72: {  	_ =	shalt  }
0x73: {  	_ =	shalt  }
0x74: {  	_ =	shalt  }
0x75: {  	_ =	shalt  }
0x76: {  	_ =	shalt  }
0x77: {  	_ =	shalt  }
0x78: {  	_ =	shalt  }
0x79: {  	_ =	shalt  }
0x7a: {  	_ =	shalt  }
0x7b: {  	_ =	shalt  }
0x7c: {  	_ =	shalt  }
0x7d: {  	_ =	shalt  }
0x7e: {  	_ =	shalt  }
0x7f: {  	_ =	shalt  }
0x80: {  	_ =	shalt  }
0x81: {  	_ =	shalt  }
0x82: {  	_ =	shalt  }
0x83: {  	_ =	shalt  }
0x84: {  	_ =	shalt  }
0x85: {  	_ =	shalt  }
0x86: {  	_ =	shalt  }
0x87: {  	_ =	shalt  }
.Lfunc_end0:
.L_simem_size_0:
called_computation_lowered:
.L_overlay_start_0:
0x88: {  	s2 =	sld [smem:$0x3FD9]  }
0x89: {  	s3 =	sld [smem:$0x3FFE];
	_ =	sdelay $0x1  }
0x8a: {  	s1 =	srdreg.scid  }
0x8b: {  	s0 =	sand.u32 $0x1, s1  }
0x8c: {  	s17 =	sshll.u32 s0, $0xA;
	s2 =	sadd.s32 s3, s2  }
0x8d: {  	s2 =	sadd.s32 s2, s17  }
0x8e: {  	[smem:$0x3FBD] =	sst s2  }
0x8f: {  	_ = 	snop  }
0x90: {  	s2 =	sld [smem:$0x3FC9]  }
0x91: {  	s18 =	sld [smem:$0x3FC8]  }
0x92: {  	s4 =	sld [smem:$0x3FC7];
	(tm) =	ssettm $0x1  }
0x93: {  	s5 =	sld [smem:$0x3FFB];
	_ =	sdelay $0x3  }
0x94: {  	_ =	strace s5  }
0x95: {  	s5 =	sld [smem:$0x3FFC];
	_ =	sdelay $0x3  }
0x96: {  	_ =	strace s5  }
0x97: {  	s5 =	sld [smem:$0x3FFD];
	_ =	sdelay $0x3  }
0x98: {  	_ =	strace s5  }
0x99: {  	_ =	strace $0x8FFFFFFF  }
0x9a: {  	s19 =	sld [smem:$0x3FDB];
	_ =	sdelay $0x1  }
0x9b: {  	s6 =	simm.s32 $_scs_section_size  }
0x9c: {  	s7 =	simm.s32 $_size__tile_overlayer_lowered;
	s8 =	simm.s32 $_tile_overlayer_lowered  }
0x9d: {  	s22 =	simm.s32 $0x1BFF;
	s21 =	sshll.u32 s8, $0x1;
	s5 =	sadd.s32 s6, s19  }
0x9e: {  	s9 =	simm.s32 $0x0;
	s20 =	sshll.u32 s7, $0x1;
	s7 =	sadd.s32 s21, s5  }
0x9f: {  	[timem:s9], [sflag:s22] =	dma.local [hbm:s7], s20  }
0xa0: {  	_ =	swait.ge [sflag:s22], s20  }
0xa1: {  	s6 =	ssub.s32 $0x0, s20;
	[sflag:s22] =	ssyncset.done $0x0  }
0xa2: {  	[sflag:s22] =	ssyncadd.s32 s6;
	_ =	sdelay $0x1  }
0xa3: {  	s23 =	simm.s32 $0x1B8B  }
0xa4: {  	_ =	swait.ge [sflag:s23], $0x1  }
0xa5: {  	[sflag:s23] =	ssyncset.done $0x0  }
0xa6: {  	s25 =	simm.s32 $0x1B8E;
	s24 =	sld [smem:$0x3FFE];
	[sflag:s23] =	ssyncadd.s32 $0xFFFFFFFF  }
0xa7: {  	s26 =	simm.s32 $execute0_lowered;
	[smem:$0x3FD2] =	sst s25  }
0xa8: {  	s7 =	sshll.u32 s26, $0x1;
	_ =	strace $0x80000046;
	[dreg:$0x1] =	wrdreg $0xFFFFFFFF  }
0xa9: {  	s28 =	simm.s32 $_size_execute0_lowered;
	s5 =	sadd.s32 s5, s7;
	[dreg:$0x0] =	wrdreg $0x0  }
0xaa: {  	s7 =	sshll.u32 s28, $0x1;
	[dreg:$0x2] =	wrdreg s5  }
0xab: {  	[dreg:$0x3] =	wrdreg s7  }
0xac: {  	[dreg:$0x4] =	wrdreg $0xC0  }
0xad: {  	_ =	task [dreg:s9], $0x5FFFF  }
0xae: {  	[dreg:$0x1] =	wrdreg $0xFFFFFFFF  }
0xaf: {  	[dreg:$0x0] =	wrdreg $0x60  }
0xb0: {  	[dreg:$0x2] =	wrdreg s2  }
0xb1: {  	[dreg:$0x3] =	wrdreg s18  }
0xb2: {  	[dreg:$0x4] =	wrdreg s4  }
0xb3: {  	[dreg:$0x5] =	wrdreg s24  }
0xb4: {  	[dreg:$0x6] =	wrdreg $0x9  }
0xb5: {  	_ =	task.clear_ibuf [dreg:s9], $0x7FFFF;
	_ =	strace $0x90000046  }
0xb6: {  	s29 =	simm.s32 $0x9;
	_ =	strace $0x80000048  }
0xb7: {  	_ =	swait.ge [sflag:s29], $0x1  }
0xb8: {  	[sflag:s29] =	ssyncadd.s32 $0xFFFFFFFF  }
0xb9: {  	_ =	strace $0x90000048  }
0xba: {  	_ =	sfence  }
0xbb: {  	s30 =	sld [smem:$0x0];
	_ =	sdelay $0x2  }
0xbc: {  	s31 =	sshll.u32 s1, $0xD;
	s1 =	sshrl.u32 s1, $0x2  }
0xbd: {  	s3 =	sand.u32 $0x4000, s31;
	s1 =	sadd.s32 s1, s30  }
0xbe: {  	s0 =	sor.u32 s3, s0;
	s1 =	sshll.u32 s1, $0x11  }
0xbf: {  	s0 =	sor.u32 s1, s0  }
0xc0: {  	s0 =	sadd.s32 $0x8F2B, s0  }
0xc1: {  	[sflag:s0] =	ssyncadd.remote.s32 $0x1  }
0xc2: {  	_ =	sfence.sel $0xFFFF  }
0xc3: {  	[dreg:$0x0] =	wrdreg $0xFFFFFFFF;
	(pc) =	sbr.abs _section_cstart, $3  }
0xc4: {  	[dreg:$0x1] =	wrdreg $0xFFFFFFFF  }
0xc5: {  	_ =	task.clear_ibuf [dreg:s9], $0x2FFFF;
	_ =	strace $0x9FFFFFFF  }
0xc6: {  	(tm) =	ssettm $0x7FFFFFFF  }
0xc7: {  	_ =	shalt  }
tec
execute0_lowered:
.L_overlay_start_1:
0x0: {  	(tag) =	ssettag $0x1  }
0x1: {  	s4 =	rddreg [dreg:$0x0]  }
0x2: {  	s1 =	srdreg.scid;
	s0 =	stileid.u32  }
0x3: {  	s6 =	rddreg [dreg:$0x1];
	s21 =	sand.u32 $0x1, s1;
	s30 =	sshll.u32 s0, $0x1  }
0x4: {  	s2 =	rddreg [dreg:$0x2];
	s14 =	sor.u32 s21, s30  }
0x5: {  	s18 =	rddreg [dreg:$0x3];
	s3 =	simm.s32 $0x0;
	s7 =	smul.u32 $0x30, s14  }
0x6: {  	s5 =	simm.s32 $0x5;
	[smem:$0x7FF] =	sst s3  }
0x7: {  	s1 =	rddreg [dreg:$0x4];
	_ =	strace $0x80000047;
	s4 =	sadd.s32 s4, s7  }
0x8: {  	[tilespmem:s3], [sflag:$0x5] =	stream.linear.gather [hbm4b:s4+s3], $0x180, $0x38;
	[tilespmem:$0x12300] =	vst v63  }
0x9: {  	_ =	swait.ge [sflag:s5], $0x180  }
0xa: {  	[sflag:s5] =	ssyncset.done $0x0  }
0xb: {  	s6 =	sadd.s32 s6, s7;
	s7 =	simm.s32 $0x180;
	[sflag:s5] =	ssyncadd.s32 $0xFFFFFE80  }
0xc: {  	[tilespmem:s7], [sflag:$0x5] =	stream.linear.gather [hbm4b:s6+s3], $0x180, $0x38;
	[tilespmem:$0x12300] =	vst v63  }
0xd: {  	_ =	swait.ge [sflag:s5], $0x180  }
0xe: {  	[sflag:s5] =	ssyncset.done $0x0  }
0xf: {  	s8 =	simm.s32 $0xC0;
	s9 =	simm.s32 $0x300;
	[sflag:s5] =	ssyncadd.s32 $0xFFFFFE80  }
0x10: {  	[tilespmem:s9], [sflag:$0x1] =	stream.indirect.gather [hbm4b:s2+s8], $0x80, s3, s8, $0xb8;
	[tilespmem:$0x12300] =	vst v63  }
0x11: {  	s10 =	simm.s32 $0x6300  }
0x12: {  	[tilespmem:s10], [sflag:$0x2] =	stream.indirect.gather [hbm4b:s2+s8], $0x80, s8, s8, $0xb8;
	[tilespmem:$0x12300] =	vst v63  }
0x13: {  	s11 =	simm.s32 $0xC300;
	s12 =	simm.s32 $0x1  }
0x14: {  	[tilespmem:s11], [sflag:$0x3] =	stream.indirect.gather [hbm4b:s2+s8], $0x80, s7, s8, $0xb8;
	[tilespmem:$0x12300] =	vst v63  }
0x15: {  	s19 =	smul.u32 $0x1800, s14;
	_ =	swait.ge [sflag:s12], $0x6000  }
0x16: {  	s16 =	sadd.s32 $0x2600, s18;
	[sflag:s12] =	ssyncset.done $0x0  }
0x17: {  	s13 =	sadd.s32 s16, s19;
	[sflag:s12] =	ssyncadd.s32 $0xFFFFA000  }
0x18: {  	[hbm4b:s13+s3] =	stream.linear.scatter [tilespmem:s9], [sflag:$0x4], $0x6000, $0x38;
	[tilespmem:$0x12300] =	vst v63  }
0x19: {  	s15 =	simm.s32 $0x2;
	s17 =	smul.u32 $0xC000, s14;
	s14 =	simm.s32 $0x240  }
0x1a: {  	[tilespmem:s9], [sflag:$0x1] =	stream.indirect.gather [hbm4b:s2+s8], $0x80, s14, s8, $0xb8;
	[tilespmem:$0x12300] =	vst v63  }
0x1b: {  	s17 =	sshrl.u32 s17, $0x3;
	_ =	swait.ge [sflag:s15], $0x6000  }
0x1c: {  	s20 =	sadd.s32 $0xC00, s17;
	[sflag:s15] =	ssyncset.done $0x0  }
0x1d: {  	s17 =	simm.s32 $0x3;
	s16 =	sadd.s32 s16, s20;
	[sflag:s15] =	ssyncadd.s32 $0xFFFFA000  }
0x1e: {  	[hbm4b:s16+s3] =	stream.linear.scatter [tilespmem:s10], [sflag:$0x4], $0x6000, $0x38;
	[tilespmem:$0x12300] =	vst v63  }
0x1f: {  	_ =	swait.ge [sflag:s17], $0x6000  }
0x20: {  	s22 =	sadd.s32 $0x32600, s18;
	[sflag:s17] =	ssyncset.done $0x0  }
0x21: {  	s18 =	sadd.s32 s22, s19;
	[sflag:s17] =	ssyncadd.s32 $0xFFFFA000  }
0x22: {  	[hbm4b:s18+s3] =	stream.linear.scatter [tilespmem:s11], [sflag:$0x4], $0x6000, $0x38;
	[tilespmem:$0x12300] =	vst v63  }
0x23: {  	_ =	swait.ge [sflag:s12], $0x6000  }
0x24: {  	[sflag:s12] =	ssyncset.done $0x0  }
0x25: {  	s19 =	simm.s32 $0x4;
	s20 =	sadd.s32 s22, s20;
	[sflag:s12] =	ssyncadd.s32 $0xFFFFA000  }
0x26: {  	[hbm4b:s20+s3] =	stream.linear.scatter [tilespmem:s9], [sflag:$0x4], $0x6000, $0x38;
	[tilespmem:$0x12300] =	vst v63  }
0x27: {  	_ =	swait.ge [sflag:s19], $0x6000  }
0x28: {  	s21 =	ssub.s32 $0x2, s21;
	[sflag:s19] =	ssyncset.done $0x0  }
0x29: {  	s31 =	sshrl.u32 s21, $0x1;
	[sflag:s19] =	ssyncadd.s32 $0xFFFFA000  }
0x2a: {  	s21 =	ssub.s32 s21, s31;
	_ =	swait.ge [sflag:s19], $0x6000  }
0x2b: {  	s21 =	smax.u32 s21, $0x1;
	[sflag:s19] =	ssyncset.done $0x0  }
0x2c: {  	p0 =	sne.s32 s21, $0x1;
	[sflag:s19] =	ssyncadd.s32 $0xFFFFA000  }
.Ltmp0:
0x2d: {  	_ =	swait.ge [sflag:s19], $0x6000;
	(pc) =	sbr.rel @!p0 .LBB2_2-.Ltmp0, $4  }
0x2e: {  	[sflag:s19] =	ssyncset.done $0x0  }
0x2f: {  	[sflag:s19] =	ssyncadd.s32 $0xFFFFA000  }
0x30: {  	_ =	swait.ge [sflag:s19], $0x6000  }
0x31: {  	s21 =	sadd.s32 $0xFFFFFFFF, s21;
	[sflag:s19] =	ssyncset.done $0x0  }
.LBB2_1:
0x32: {  	p0 =	sne.s32 s21, $0x1;
	s21 =	sadd.s32 $0xFFFFFFFF, s21;
	[sflag:s19] =	ssyncadd.s32 $0xFFFFA000  }
0x33: {  	[tilespmem:s3], [sflag:$0x5] =	stream.linear.gather [hbm4b:s4+s3], $0x180, $0x38;
	[tilespmem:$0x12300] =	vst v63  }
0x34: {  	_ =	swait.ge [sflag:s5], $0x180  }
0x35: {  	[sflag:s5] =	ssyncset.done $0x0  }
0x36: {  	[sflag:s5] =	ssyncadd.s32 $0xFFFFFE80  }
0x37: {  	[tilespmem:s7], [sflag:$0x5] =	stream.linear.gather [hbm4b:s6+s3], $0x180, $0x38;
	[tilespmem:$0x12300] =	vst v63  }
0x38: {  	_ =	swait.ge [sflag:s5], $0x180  }
0x39: {  	[sflag:s5] =	ssyncset.done $0x0  }
0x3a: {  	[sflag:s5] =	ssyncadd.s32 $0xFFFFFE80  }
0x3b: {  	[tilespmem:s9], [sflag:$0x1] =	stream.indirect.gather [hbm4b:s2+s8], $0x80, s3, s8, $0xb8;
	[tilespmem:$0x12300] =	vst v63  }
0x3c: {  	_ = 	snop  }
0x3d: {  	[tilespmem:s10], [sflag:$0x2] =	stream.indirect.gather [hbm4b:s2+s8], $0x80, s8, s8, $0xb8;
	[tilespmem:$0x12300] =	vst v63  }
0x3e: {  	_ = 	snop  }
0x3f: {  	[tilespmem:s11], [sflag:$0x3] =	stream.indirect.gather [hbm4b:s2+s8], $0x80, s7, s8, $0xb8;
	[tilespmem:$0x12300] =	vst v63  }
0x40: {  	_ =	swait.ge [sflag:s12], $0x6000  }
0x41: {  	[sflag:s12] =	ssyncset.done $0x0  }
0x42: {  	[sflag:s12] =	ssyncadd.s32 $0xFFFFA000  }
0x43: {  	[hbm4b:s13+s3] =	stream.linear.scatter [tilespmem:s9], [sflag:$0x4], $0x6000, $0x38;
	[tilespmem:$0x12300] =	vst v63  }
0x44: {  	_ = 	snop  }
0x45: {  	[tilespmem:s9], [sflag:$0x1] =	stream.indirect.gather [hbm4b:s2+s8], $0x80, s14, s8, $0xb8;
	[tilespmem:$0x12300] =	vst v63  }
0x46: {  	_ =	swait.ge [sflag:s15], $0x6000  }
0x47: {  	[sflag:s15] =	ssyncset.done $0x0  }
0x48: {  	[sflag:s15] =	ssyncadd.s32 $0xFFFFA000  }
0x49: {  	[hbm4b:s16+s3] =	stream.linear.scatter [tilespmem:s10], [sflag:$0x4], $0x6000, $0x38;
	[tilespmem:$0x12300] =	vst v63  }
0x4a: {  	_ =	swait.ge [sflag:s17], $0x6000  }
0x4b: {  	[sflag:s17] =	ssyncset.done $0x0  }
0x4c: {  	[sflag:s17] =	ssyncadd.s32 $0xFFFFA000  }
0x4d: {  	[hbm4b:s18+s3] =	stream.linear.scatter [tilespmem:s11], [sflag:$0x4], $0x6000, $0x38;
	[tilespmem:$0x12300] =	vst v63  }
0x4e: {  	_ =	swait.ge [sflag:s12], $0x6000  }
0x4f: {  	[sflag:s12] =	ssyncset.done $0x0  }
0x50: {  	[sflag:s12] =	ssyncadd.s32 $0xFFFFA000  }
0x51: {  	[hbm4b:s20+s3] =	stream.linear.scatter [tilespmem:s9], [sflag:$0x4], $0x6000, $0x38;
	[tilespmem:$0x12300] =	vst v63  }
0x52: {  	_ =	swait.ge [sflag:s19], $0x6000  }
0x53: {  	[sflag:s19] =	ssyncset.done $0x0  }
0x54: {  	[sflag:s19] =	ssyncadd.s32 $0xFFFFA000  }
0x55: {  	_ =	swait.ge [sflag:s19], $0x6000  }
0x56: {  	[sflag:s19] =	ssyncset.done $0x0  }
0x57: {  	[sflag:s19] =	ssyncadd.s32 $0xFFFFA000  }
.Ltmp1:
0x58: {  	_ =	swait.ge [sflag:s19], $0x6000;
	(pc) =	sbr.rel @p0 .LBB2_1-.Ltmp1, $4  }
0x59: {  	[sflag:s19] =	ssyncset.done $0x0  }
0x5a: {  	[sflag:s19] =	ssyncadd.s32 $0xFFFFA000  }
0x5b: {  	_ =	swait.ge [sflag:s19], $0x6000  }
0x5c: {  	[sflag:s19] =	ssyncset.done $0x0  }
.LBB2_2:
0x5d: {  	[sflag:s19] =	ssyncadd.s32 $0xFFFFA000  }
0x5e: {  	_ =	sfence.sel $0x180000  }
0x5f: {  	[bflag:$0x0] =	sbarrier.arrive $0xFFFF  }
0x60: {  	p0 =	sne.s32 s0, $0x0;
	_ =	strace $0x90000047  }
0x61: {  	s0 =	sadd.s32 @!p0 $0x100000, s1;
	[bflag:$0x2] =	sbarrier.arrive $0xFFFF  }
0x62: {  	[sflag:s0] =	ssyncadd.tile.s32 @!p0 $0x1;
	_ =	shalt  }
.Lfunc_end2:
_tile_overlayer_lowered:
.L_overlay_start_2:
0x63: {  	(tag) =	ssettag $0x2  }
0x64: {  	s0 =	rddreg [dreg:$0x0];
	s2 =	stileid.u32  }
0x65: {  	s1 =	rddreg [dreg:$0x1];
	p0 =	sne.s32 s2, $0x0  }
0x66: {  	s3 =	rddreg [dreg:$0x2];
	[bflag:$0x3] =	sbarrier.arrive $0xFFFF;
	s2 =	simm.s32 @!p0 $0x1C05  }
0x67: {  	[timem:s3], [sflag:s2] =	dma.local @!p0 [hbm:s0], s1  }
0x68: {  	s0 =	simm.s32 @!p0 $0x5  }
0x69: {  	_ =	swait.ge @!p0 [sflag:s0], s1  }
0x6a: {  	s1 =	ssub.s32 @!p0 $0x0, s1;
	[sflag:s0] =	ssyncset.done @!p0 $0x0  }
0x6b: {  	[sflag:s0] =	ssyncadd.s32 @!p0 s1  }
0x6c: {  	[bflag:$0x3] =	sbarrier.arrive $0xFFFF  }
0x6d: {  	_ =	shalt  }

// kernel: kernel.9.cloned.1.call-start
scs
__scs_entry_jumppad:
0x0: {  	(pc) =	sbr.rel $0x88, $3  }
0x1: {  	(tag) =	ssettag $0x0;
	lr =	simm.s32 $0x1  }
0x2: {  	[smem:$0x3F96] =	sst lr;
	_ =	strace $0xD0000000  }
0x3: {  	_ = 	snop  }
0x4: {  	_ = 	snop  }
0x5: {  	_ = 	snop  }
0x6: {  	_ = 	snop  }
0x7: {  	_ = 	snop  }
__scs_overlays_trampoline_lowered:
0x8: {  	[smem:$0x3FA5] =	sst s0  }
0x9: {  	[smem:$0x3FA6] =	sst s1  }
0xa: {  	[smem:$0x3FA7] =	sst s2  }
0xb: {  	[smem:$0x3FA8] =	sst s3  }
0xc: {  	[smem:$0x3FA9] =	sst s4  }
0xd: {  	[smem:$0x3FAA] =	sst s5  }
0xe: {  	[smem:$0x3FAB] =	sst s6  }
0xf: {  	[smem:$0x3FAC] =	sst s7  }
0x10: {  	[smem:$0x3FAD] =	sst s8  }
0x11: {  	[smem:$0x3FAE] =	sst s9;
	s0 =	simm.s32 @!p0 $0x0  }
0x12: {  	s1 =	sld [smem:$0x3F94];
	s0 =	simm.s32 @p0 $0x1  }
0x13: {  	[smem:$0x3FAF] =	sst s0;
	s0 =	simm.s32 @!p1 $0x0  }
0x14: {  	s2 =	sld [smem:$0x3F93];
	s0 =	simm.s32 @p1 $0x1  }
0x15: {  	[smem:$0x3FB0] =	sst s0;
	s0 =	simm.s32 @!p2 $0x0  }
0x16: {  	s3 =	sld [smem:$0x3FDB];
	s0 =	simm.s32 @p2 $0x1  }
0x17: {  	s4 =	simm.s32 $0x1BF5;
	[smem:$0x3FB2] =	sst s0  }
0x18: {  	s0 =	sld [smem:$0x3F95];
	_ =	swait.ge [sflag:s4], $0x0  }
0x19: {  	s7 =	sld [smem:$0x3F96]  }
0x1a: {  	s8 =	sadd.s32 $0xFFFFE003, lr  }
0x1b: {  	s9 =	sadd.s32 $0xFFFFFEF7, lr;
	s5 =	simm.s32 $0xFFFFFFFF;
	p2 =	slt.u32 s8, $0xFFFFF086  }
0x1c: {  	p1 =	slt.u32 s9, $0xF7A;
	s5 =	simm.s32 @!p2 $0x0  }
0x1d: {  	s5 =	simm.s32 @p1 $0x1;
	p0 =	seq.s32 s7, s2  }
0x1e: {  	s7 =	smul.u32 @!p0 $0xF7A, s2;
	p2 =	seq.s32 @!p0 s5, $0x0  }
0x1f: {  	s9 =	smul.u32 $0xF7A, s1;
	s8 =	simm.s32 @!p0 $0x1BF5;
	p2 =	por !p2, p0  }
0x20: {  	[sflag:s8] =	ssyncset.s32 @!p0 $0xFFFFF086;
	s6 =	sadd.s32 @!p0 s3, s7;
	s7 =	simm.s32 @!p0 $0x108  }
0x21: {  	s3 =	sadd.s32 s3, s9;
	s6 =	sadd.s32 @!p0 $0x88, s6;
	s7 =	simm.s32 @p2 $0x1082  }
0x22: {  	[simem:s7], [sflag:s8] =	dma.local @!p0 [hbm:s6], $0xF7A  }
0x23: {  	s9 =	sor.u32 $0xD0000000, s2;
	s6 =	simm.s32 $0x108;
	_ =	swait.ge @!p0 [sflag:s8], $0x0  }
0x24: {  	s3 =	sadd.s32 $0x88, s3;
	s6 =	simm.s32 @!p1 $0x1082;
	[sflag:s4] =	ssyncset.s32 $0xFFFFF086  }
0x25: {  	[simem:s6], [sflag:s4] =	dma.local [hbm:s3], $0xF7A  }
0x26: {  	[smem:$0x3F96] =	sst s1;
	(tag) =	ssettag s2;
	_ =	strace s9  }
0x27: {  	s1 =	sld [smem:$0x3FA6]  }
0x28: {  	s2 =	sld [smem:$0x3FA7]  }
0x29: {  	s4 =	sld [smem:$0x3FA9]  }
0x2a: {  	p0 =	seq.s32 s5, $0x0;
	s5 =	sld [smem:$0x3FAA]  }
0x2b: {  	s6 =	sld [smem:$0x3FAB]  }
0x2c: {  	s7 =	sld [smem:$0x3FAC]  }
0x2d: {  	s3 =	simm.s32 $0x108;
	s8 =	sld [smem:$0x3FAD]  }
0x2e: {  	s3 =	simm.s32 @!p0 $0x1082;
	s9 =	sld [smem:$0x3FAE]  }
0x2f: {  	lr =	sadd.s32 s0, s3;
	s0 =	sld [smem:$0x3FA5]  }
0x30: {  	s3 =	sld [smem:$0x3FA8]  }
0x31: {  	[smem:$0x3FB1] =	sst s10  }
0x32: {  	s10 =	sld [smem:$0x3FAF];
	_ =	sdelay $0x3  }
0x33: {  	p0 =	seq.s32 s10, $0x1;
	s10 =	sld [smem:$0x3FB1];
	_ =	sdelay $0x3  }
0x34: {  	[smem:$0x3FB1] =	sst s10  }
0x35: {  	s10 =	sld [smem:$0x3FB0];
	_ =	sdelay $0x3  }
0x36: {  	p1 =	seq.s32 s10, $0x1;
	s10 =	sld [smem:$0x3FB1];
	_ =	sdelay $0x3  }
0x37: {  	[smem:$0x3FB1] =	sst s10  }
0x38: {  	s10 =	sld [smem:$0x3FB2]  }
0x39: {  	_ = 	snop;
	(pc) =	sbr.ind lr, $3  }
0x3a: {  	_ = 	snop  }
0x3b: {  	_ = 	snop  }
0x3c: {  	p2 =	seq.s32 s10, $0x1;
	s10 =	sld [smem:$0x3FB1]  }
0x3d: {  	_ =	shalt  }
0x3e: {  	_ =	shalt  }
0x3f: {  	_ =	shalt  }
0x40: {  	_ =	shalt  }
0x41: {  	_ =	shalt  }
0x42: {  	_ =	shalt  }
0x43: {  	_ =	shalt  }
0x44: {  	_ =	shalt  }
0x45: {  	_ =	shalt  }
0x46: {  	_ =	shalt  }
0x47: {  	_ =	shalt  }
0x48: {  	_ =	shalt  }
0x49: {  	_ =	shalt  }
0x4a: {  	_ =	shalt  }
0x4b: {  	_ =	shalt  }
0x4c: {  	_ =	shalt  }
0x4d: {  	_ =	shalt  }
0x4e: {  	_ =	shalt  }
0x4f: {  	_ =	shalt  }
0x50: {  	_ =	shalt  }
0x51: {  	_ =	shalt  }
0x52: {  	_ =	shalt  }
0x53: {  	_ =	shalt  }
0x54: {  	_ =	shalt  }
0x55: {  	_ =	shalt  }
0x56: {  	_ =	shalt  }
0x57: {  	_ =	shalt  }
0x58: {  	_ =	shalt  }
0x59: {  	_ =	shalt  }
0x5a: {  	_ =	shalt  }
0x5b: {  	_ =	shalt  }
0x5c: {  	_ =	shalt  }
0x5d: {  	_ =	shalt  }
0x5e: {  	_ =	shalt  }
0x5f: {  	_ =	shalt  }
0x60: {  	_ =	shalt  }
0x61: {  	_ =	shalt  }
0x62: {  	_ =	shalt  }
0x63: {  	_ =	shalt  }
0x64: {  	_ =	shalt  }
0x65: {  	_ =	shalt  }
0x66: {  	_ =	shalt  }
0x67: {  	_ =	shalt  }
0x68: {  	_ =	shalt  }
0x69: {  	_ =	shalt  }
0x6a: {  	_ =	shalt  }
0x6b: {  	_ =	shalt  }
0x6c: {  	_ =	shalt  }
0x6d: {  	_ =	shalt  }
0x6e: {  	_ =	shalt  }
0x6f: {  	_ =	shalt  }
0x70: {  	_ =	shalt  }
0x71: {  	_ =	shalt  }
0x72: {  	_ =	shalt  }
0x73: {  	_ =	shalt  }
0x74: {  	_ =	shalt  }
0x75: {  	_ =	shalt  }
0x76: {  	_ =	shalt  }
0x77: {  	_ =	shalt  }
0x78: {  	_ =	shalt  }
0x79: {  	_ =	shalt  }
0x7a: {  	_ =	shalt  }
0x7b: {  	_ =	shalt  }
0x7c: {  	_ =	shalt  }
0x7d: {  	_ =	shalt  }
0x7e: {  	_ =	shalt  }
0x7f: {  	_ =	shalt  }
0x80: {  	_ =	shalt  }
0x81: {  	_ =	shalt  }
0x82: {  	_ =	shalt  }
0x83: {  	_ =	shalt  }
0x84: {  	_ =	shalt  }
0x85: {  	_ =	shalt  }
0x86: {  	_ =	shalt  }
0x87: {  	_ =	shalt  }
.Lfunc_end0:
.L_simem_size_0:
called_computation.1_lowered:
.L_overlay_start_0:
0x88: {  	s2 =	sld [smem:$0x3FD9]  }
0x89: {  	s3 =	sld [smem:$0x3FFE];
	_ =	sdelay $0x1  }
0x8a: {  	s1 =	srdreg.scid  }
0x8b: {  	s0 =	sand.u32 $0x1, s1  }
0x8c: {  	s17 =	sshll.u32 s0, $0xA;
	s2 =	sadd.s32 s3, s2  }
0x8d: {  	s2 =	sadd.s32 s2, s17  }
0x8e: {  	[smem:$0x3FBD] =	sst s2  }
0x8f: {  	_ = 	snop  }
0x90: {  	s18 =	sld [smem:$0x3FC9]  }
0x91: {  	s4 =	sld [smem:$0x3FC8]  }
0x92: {  	s5 =	sld [smem:$0x3FC7];
	(tm) =	ssettm $0x1  }
0x93: {  	s19 =	sld [smem:$0x3FFB];
	_ =	sdelay $0x3  }
0x94: {  	_ =	strace s19  }
0x95: {  	s2 =	sld [smem:$0x3FFC];
	_ =	sdelay $0x3  }
0x96: {  	_ =	strace s2  }
0x97: {  	s2 =	sld [smem:$0x3FFD];
	_ =	sdelay $0x3  }
0x98: {  	_ =	strace s2  }
0x99: {  	_ =	strace $0x8FFFFFFF  }
0x9a: {  	s20 =	sld [smem:$0x3FDB];
	_ =	sdelay $0x1  }
0x9b: {  	s6 =	simm.s32 $_scs_section_size  }
0x9c: {  	s7 =	simm.s32 $_size__tile_overlayer_lowered;
	s8 =	simm.s32 $_tile_overlayer_lowered  }
0x9d: {  	s9 =	simm.s32 $0x1BFF;
	s21 =	sshll.u32 s8, $0x1;
	s6 =	sadd.s32 s6, s20  }
0x9e: {  	s22 =	simm.s32 $0x0;
	s7 =	sshll.u32 s7, $0x1;
	s8 =	sadd.s32 s21, s6  }
0x9f: {  	[timem:s22], [sflag:s9] =	dma.local [hbm:s8], s7  }
0xa0: {  	_ =	swait.ge [sflag:s9], s7  }
0xa1: {  	s7 =	ssub.s32 $0x0, s7;
	[sflag:s9] =	ssyncset.done $0x0  }
0xa2: {  	[sflag:s9] =	ssyncadd.s32 s7;
	_ =	sdelay $0x1  }
0xa3: {  	s23 =	simm.s32 $0x1B8B  }
0xa4: {  	_ =	swait.ge [sflag:s23], $0x1  }
0xa5: {  	[sflag:s23] =	ssyncset.done $0x0  }
0xa6: {  	[sflag:s23] =	ssyncadd.s32 $0xFFFFFFFF  }
0xa7: {  	s7 =	sld [smem:$0x0]  }
0xa8: {  	s8 =	sand.u32 $0xFFFFFFFE, s1  }
0xa9: {  	p0 =	sne.s32 s1, s8  }
0xaa: {  	s8 =	sshll.u32 @p0 s8, $0xE  }
0xab: {  	s8 =	sadd.s32 @p0 $0x11B8D, s8;
	s9 =	sshll.u32 @p0 s7, $0x11  }
0xac: {  	s8 =	sor.u32 @p0 s9, s8  }
0xad: {  	[sflag:s8] =	ssyncadd.remote.s32 @p0 $0x1;
	_ =	sdelay $0x1  }
0xae: {  	s8 =	simm.s32 @p0 $0x1B8D  }
0xaf: {  	_ =	swait.eq @p0 [sflag:s8], $0x1  }
0xb0: {  	[sflag:s8] =	ssyncadd.s32 @p0 $0xFFFFFFFF  }
0xb1: {  	s9 =	sshll.u32 @!p0 s1, $0xE  }
0xb2: {  	s9 =	sor.u32 @!p0 $0x4000, s9;
	s8 =	simm.s32 @!p0 $0x1B8D  }
0xb3: {  	s7 =	sshll.u32 @!p0 s7, $0x11;
	s9 =	sadd.s32 @!p0 $0x11B8D, s9;
	_ =	swait.eq @!p0 [sflag:s8], $0x1  }
0xb4: {  	s7 =	sor.u32 @!p0 s7, s9;
	[sflag:s8] =	ssyncadd.s32 @!p0 $0xFFFFFFFF  }
0xb5: {  	s25 =	simm.s32 $0x1B8E;
	s24 =	sld [smem:$0x3FFE];
	[sflag:s7] =	ssyncadd.remote.s32 @!p0 $0x1  }
0xb6: {  	s26 =	simm.s32 $execute0_lowered;
	[smem:$0x3FD2] =	sst s25  }
0xb7: {  	s8 =	sshll.u32 s26, $0x1;
	_ =	strace $0x80000049;
	[dreg:$0x1] =	wrdreg $0xFFFFFFFF  }
0xb8: {  	s28 =	simm.s32 $_size_execute0_lowered;
	s6 =	sadd.s32 s6, s8;
	[dreg:$0x0] =	wrdreg $0x0  }
0xb9: {  	s8 =	sshll.u32 s28, $0x1;
	[dreg:$0x2] =	wrdreg s6  }
0xba: {  	[dreg:$0x3] =	wrdreg s8  }
0xbb: {  	[dreg:$0x4] =	wrdreg $0xC0  }
0xbc: {  	_ =	task [dreg:s22], $0x5FFFF  }
0xbd: {  	[dreg:$0x1] =	wrdreg $0xFFFFFFFF  }
0xbe: {  	[dreg:$0x0] =	wrdreg $0x60  }
0xbf: {  	[dreg:$0x2] =	wrdreg s18  }
0xc0: {  	[dreg:$0x3] =	wrdreg s4  }
0xc1: {  	[dreg:$0x4] =	wrdreg s5  }
0xc2: {  	[dreg:$0x5] =	wrdreg s24  }
0xc3: {  	[dreg:$0x6] =	wrdreg $0xA  }
0xc4: {  	_ =	task.clear_ibuf [dreg:s22], $0x7FFFF;
	_ =	strace $0x90000049  }
0xc5: {  	s29 =	simm.s32 $0xA;
	_ =	strace $0x8000004B  }
0xc6: {  	_ =	swait.ge [sflag:s29], $0x1  }
0xc7: {  	[sflag:s29] =	ssyncadd.s32 $0xFFFFFFFF  }
0xc8: {  	_ =	strace $0x9000004B  }
0xc9: {  	_ =	sfence  }
0xca: {  	s30 =	sld [smem:$0x0];
	_ =	sdelay $0x2  }
0xcb: {  	s31 =	sshll.u32 s1, $0xD;
	s1 =	sshrl.u32 s1, $0x2  }
0xcc: {  	s4 =	sand.u32 $0x4000, s31;
	s1 =	sadd.s32 s1, s30  }
0xcd: {  	s0 =	sor.u32 s4, s0;
	s1 =	sshll.u32 s1, $0x11  }
0xce: {  	s0 =	sor.u32 s1, s0  }
0xcf: {  	s0 =	sadd.s32 $0x8F2B, s0  }
0xd0: {  	[sflag:s0] =	ssyncadd.remote.s32 $0x1  }
0xd1: {  	_ =	sfence.sel $0xFFFF  }
0xd2: {  	[dreg:$0x0] =	wrdreg $0xFFFFFFFF;
	(pc) =	sbr.abs _section_cstart, $3  }
0xd3: {  	[dreg:$0x1] =	wrdreg $0xFFFFFFFF  }
0xd4: {  	_ =	task.clear_ibuf [dreg:s22], $0x2FFFF;
	_ =	strace $0x9FFFFFFF  }
0xd5: {  	(tm) =	ssettm $0x7FFFFFFF  }
tec
execute0_lowered:
.L_overlay_start_1:
0x0: {  	(tag) =	ssettag $0x1  }
0x1: {  	s4 =	rddreg [dreg:$0x0];
	s1 =	srdreg.scid  }
0x2: {  	s6 =	rddreg [dreg:$0x1];
	s0 =	stileid.u32;
	s13 =	sand.u32 $0x1, s1  }
0x3: {  	s2 =	rddreg [dreg:$0x2];
	s31 =	sshll.u32 s0, $0x8;
	s3 =	sshll.u32 s13, $0x7  }
0x4: {  	s11 =	rddreg [dreg:$0x3];
	s12 =	sor.u32 s3, s31  }
0x5: {  	s1 =	rddreg [dreg:$0x4];
	s3 =	simm.s32 $0x0;
	s5 =	sshrl.u32 s12, $0x3  }
0x6: {  	[smem:$0x7FF] =	sst s3;
	s7 =	sor.u32 $0x600, s5  }
0x7: {  	_ =	strace $0x8000004A;
	s5 =	simm.s32 $0x4;
	s4 =	sadd.s32 s4, s7  }
0x8: {  	[tilespmem:s3], [sflag:$0x4] =	stream.linear.gather [hbm4b:s4+s3], $0x80, $0x38;
	[tilespmem:$0x8100] =	vst v63  }
0x9: {  	_ =	swait.ge [sflag:s5], $0x80  }
0xa: {  	[sflag:s5] =	ssyncset.done $0x0  }
0xb: {  	s6 =	sadd.s32 s6, s7;
	s7 =	simm.s32 $0x80;
	[sflag:s5] =	ssyncadd.s32 $0xFFFFFF80  }
0xc: {  	[tilespmem:s7], [sflag:$0x4] =	stream.linear.gather [hbm4b:s6+s3], $0x80, $0x38;
	[tilespmem:$0x8100] =	vst v63  }
0xd: {  	_ =	swait.ge [sflag:s5], $0x80  }
0xe: {  	[sflag:s5] =	ssyncset.done $0x0  }
0xf: {  	s8 =	simm.s32 $0x100;
	[sflag:s5] =	ssyncadd.s32 $0xFFFFFF80  }
0x10: {  	[tilespmem:s8], [sflag:$0x1] =	stream.indirect.gather [hbm4b:s2+s7], $0x80, s3, s7, $0xb8;
	[tilespmem:$0x8100] =	vst v63  }
0x11: {  	s9 =	simm.s32 $0x4100;
	s10 =	simm.s32 $0x1  }
0x12: {  	[tilespmem:s9], [sflag:$0x2] =	stream.indirect.gather [hbm4b:s2+s7], $0x80, s7, s7, $0xb8;
	[tilespmem:$0x8100] =	vst v63  }
0x13: {  	s15 =	ssub.s32 $0x2, s13;
	s12 =	sshll.u32 s12, $0x4;
	_ =	swait.ge [sflag:s10], $0x4000  }
0x14: {  	s16 =	sshrl.u32 s15, $0x1;
	s14 =	sadd.s32 s12, s11;
	[sflag:s10] =	ssyncset.done $0x0  }
0x15: {  	s12 =	simm.s32 $0x2;
	s11 =	sadd.s32 $0x62600, s14;
	[sflag:s10] =	ssyncadd.s32 $0xFFFFC000  }
0x16: {  	[hbm4b:s11+s3] =	stream.linear.scatter [tilespmem:s8], [sflag:$0x3], $0x4000, $0x38;
	[tilespmem:$0x8100] =	vst v63  }
0x17: {  	s15 =	ssub.s32 s15, s16;
	_ =	swait.ge [sflag:s12], $0x4000  }
0x18: {  	s13 =	simm.s32 $0x3;
	s15 =	smax.u32 s15, $0x1;
	[sflag:s12] =	ssyncset.done $0x0  }
0x19: {  	s14 =	sadd.s32 $0x72600, s14;
	p0 =	sne.s32 s15, $0x1;
	[sflag:s12] =	ssyncadd.s32 $0xFFFFC000  }
0x1a: {  	[hbm4b:s14+s3] =	stream.linear.scatter [tilespmem:s9], [sflag:$0x3], $0x4000, $0x38;
	[tilespmem:$0x8100] =	vst v63  }
.Ltmp0:
0x1b: {  	_ =	swait.ge [sflag:s13], $0x4000;
	(pc) =	sbr.rel @!p0 .LBB2_2-.Ltmp0, $4  }
0x1c: {  	[sflag:s13] =	ssyncset.done $0x0  }
0x1d: {  	[sflag:s13] =	ssyncadd.s32 $0xFFFFC000  }
0x1e: {  	_ =	swait.ge [sflag:s13], $0x4000  }
0x1f: {  	s15 =	sadd.s32 $0xFFFFFFFF, s15;
	[sflag:s13] =	ssyncset.done $0x0  }
.LBB2_1:
0x20: {  	p0 =	sne.s32 s15, $0x1;
	s15 =	sadd.s32 $0xFFFFFFFF, s15;
	[sflag:s13] =	ssyncadd.s32 $0xFFFFC000  }
0x21: {  	[tilespmem:s3], [sflag:$0x4] =	stream.linear.gather [hbm4b:s4+s3], $0x80, $0x38;
	[tilespmem:$0x8100] =	vst v63  }
0x22: {  	_ =	swait.ge [sflag:s5], $0x80  }
0x23: {  	[sflag:s5] =	ssyncset.done $0x0  }
0x24: {  	[sflag:s5] =	ssyncadd.s32 $0xFFFFFF80  }
0x25: {  	[tilespmem:s7], [sflag:$0x4] =	stream.linear.gather [hbm4b:s6+s3], $0x80, $0x38;
	[tilespmem:$0x8100] =	vst v63  }
0x26: {  	_ =	swait.ge [sflag:s5], $0x80  }
0x27: {  	[sflag:s5] =	ssyncset.done $0x0  }
0x28: {  	[sflag:s5] =	ssyncadd.s32 $0xFFFFFF80  }
0x29: {  	[tilespmem:s8], [sflag:$0x1] =	stream.indirect.gather [hbm4b:s2+s7], $0x80, s3, s7, $0xb8;
	[tilespmem:$0x8100] =	vst v63  }
0x2a: {  	_ = 	snop  }
0x2b: {  	[tilespmem:s9], [sflag:$0x2] =	stream.indirect.gather [hbm4b:s2+s7], $0x80, s7, s7, $0xb8;
	[tilespmem:$0x8100] =	vst v63  }
0x2c: {  	_ =	swait.ge [sflag:s10], $0x4000  }
0x2d: {  	[sflag:s10] =	ssyncset.done $0x0  }
0x2e: {  	[sflag:s10] =	ssyncadd.s32 $0xFFFFC000  }
0x2f: {  	[hbm4b:s11+s3] =	stream.linear.scatter [tilespmem:s8], [sflag:$0x3], $0x4000, $0x38;
	[tilespmem:$0x8100] =	vst v63  }
0x30: {  	_ =	swait.ge [sflag:s12], $0x4000  }
0x31: {  	[sflag:s12] =	ssyncset.done $0x0  }
0x32: {  	[sflag:s12] =	ssyncadd.s32 $0xFFFFC000  }
0x33: {  	[hbm4b:s14+s3] =	stream.linear.scatter [tilespmem:s9], [sflag:$0x3], $0x4000, $0x38;
	[tilespmem:$0x8100] =	vst v63  }
.Ltmp1:
0x34: {  	_ =	swait.ge [sflag:s13], $0x4000;
	(pc) =	sbr.rel @p0 .LBB2_1-.Ltmp1, $4  }
0x35: {  	[sflag:s13] =	ssyncset.done $0x0  }
0x36: {  	[sflag:s13] =	ssyncadd.s32 $0xFFFFC000  }
0x37: {  	_ =	swait.ge [sflag:s13], $0x4000  }
0x38: {  	[sflag:s13] =	ssyncset.done $0x0  }
.LBB2_2:
0x39: {  	[sflag:s13] =	ssyncadd.s32 $0xFFFFC000  }
0x3a: {  	_ =	sfence.sel $0x180000  }
0x3b: {  	[bflag:$0x0] =	sbarrier.arrive $0xFFFF  }
0x3c: {  	p0 =	sne.s32 s0, $0x0;
	_ =	strace $0x9000004A  }
0x3d: {  	s0 =	sadd.s32 @!p0 $0x100000, s1;
	[bflag:$0x2] =	sbarrier.arrive $0xFFFF  }
0x3e: {  	[sflag:s0] =	ssyncadd.tile.s32 @!p0 $0x1;
	_ =	shalt  }
.Lfunc_end2:
_tile_overlayer_lowered:
.L_overlay_start_2:
0x3f: {  	(tag) =	ssettag $0x2  }
0x40: {  	s0 =	rddreg [dreg:$0x0];
	s2 =	stileid.u32  }
0x41: {  	s1 =	rddreg [dreg:$0x1];
	p0 =	sne.s32 s2, $0x0  }
0x42: {  	s3 =	rddreg [dreg:$0x2];
	[bflag:$0x3] =	sbarrier.arrive $0xFFFF;
	s2 =	simm.s32 @!p0 $0x1C04  }
0x43: {  	[timem:s3], [sflag:s2] =	dma.local @!p0 [hbm:s0], s1  }
0x44: {  	s0 =	simm.s32 @!p0 $0x4  }
0x45: {  	_ =	swait.ge @!p0 [sflag:s0], s1  }
0x46: {  	s1 =	ssub.s32 @!p0 $0x0, s1;
	[sflag:s0] =	ssyncset.done @!p0 $0x0  }
0x47: {  	[sflag:s0] =	ssyncadd.s32 @!p0 s1  }
0x48: {  	[bflag:$0x3] =	sbarrier.arrive $0xFFFF  }
0x49: {  	_ =	shalt  }

</sc_bundles>
